<compile_context>
chip_gen: v7x
topology: tpu7x:2x2x1
jax: 0.10.2.dev20260603
libtpu: 0.0.44.dev20260713+nightly
codegen_flags: <defaults>
</compile_context>

<pallas_src>
import functools

import jax
import jax.numpy as jnp
from jax import lax
from jax.experimental import pallas as pl
from jax.experimental.pallas import tpu as pltpu
from jax.experimental.pallas import tpu_sc as plsc

VOCAB, WIDTH, CTX, BATCH = 49408, 512, 77, 1024
CTXP = 80
LANES = 16
NUM_CORES = 2
NUM_SUBCORES = 16
NW = NUM_CORES * NUM_SUBCORES
ROWS_PER_W = BATCH // NW


def kernel(input_ts, tokenembd, pstnembd):
    mesh = plsc.VectorSubcoreMesh(core_axis_name="c", subcore_axis_name="s")

    @functools.partial(
        pl.kernel,
        out_type=jax.ShapeDtypeStruct((BATCH, CTX, WIDTH), jnp.float32),
        mesh=mesh,
        scratch_types=[
            pltpu.VMEM((ROWS_PER_W, 1, CTXP), jnp.int32),
            pltpu.VMEM((CTX, WIDTH), jnp.float32),
            pltpu.VMEM((CTXP, WIDTH), jnp.float32),
            pltpu.VMEM((CTX, WIDTH), jnp.float32),
            pltpu.SemaphoreType.DMA,
        ],
    )
    def launch(idx_hbm, tok_hbm, pos_hbm, out_hbm,
               idx_all, pos_v, buf, sbuf, gsem):
        wid = lax.axis_index("s") * NUM_CORES + lax.axis_index("c")
        base = wid * ROWS_PER_W
        pltpu.sync_copy(idx_hbm.at[wid], idx_all)
        pltpu.sync_copy(pos_hbm, pos_v)

        def add_groups(g, c2):
            sl = pl.ds(g * LANES, LANES)
            for rr in range(CTX):
                sbuf[rr, sl] = buf[rr, sl] + pos_v[rr, sl]
            return c2

        pltpu.async_copy(tok_hbm.at[idx_all.at[0, 0]], buf, gsem)

        @pl.loop(0, ROWS_PER_W)
        def row_loop(r):
            pltpu.make_async_copy(tok_hbm.at[idx_all.at[0, 0]], buf,
                                  gsem).wait()
            lax.fori_loop(0, WIDTH // LANES, add_groups, 0)

            @pl.when(r + 1 < ROWS_PER_W)
            def _prefetch():
                pltpu.async_copy(tok_hbm.at[idx_all.at[r + 1, 0]], buf, gsem)

            pltpu.sync_copy(sbuf, out_hbm.at[base + r])

    idx = jnp.pad(input_ts.astype(jnp.int32), ((0, 0), (0, CTXP - CTX)))
    return launch(idx.reshape(NW, ROWS_PER_W, 1, CTXP), tokenembd, pstnembd)

# --- scband reference (transcript-rebuilt; emitter-appended) ---
"""Pipeline reference for scband-token-embeding-89275190214834 (READ-ONLY COPY).

The authoritative reference and input builder live on the scoring server;
editing this copy changes nothing except your own understanding.
"""

import jax, jax.numpy as jnp
import numpy as np

VOCAB = 49408
WIDTH = 512
CTX = 77
BATCH = 1024

def setup_inputs(seed: int = 0) -> dict:
    key = jax.random.key(seed)
    k1, k2, k3 = jax.random.split(key, 3)
    input_ts = jax.random.randint(k1, (BATCH, CTX), 0, VOCAB, dtype=jnp.int64 if jax.config.jax_enable_x64 else jnp.int32)
    # glorot_uniform init for the tables
    lim_tok = float(np.sqrt(6.0 / (VOCAB + WIDTH)))
    tokenembd = jax.random.uniform(k2, (VOCAB, WIDTH), minval=-lim_tok, maxval=lim_tok, dtype=jnp.float32)
    lim_pos = float(np.sqrt(6.0 / (CTX + WIDTH)))
    pstnembd = jax.random.uniform(k3, (CTX, WIDTH), minval=-lim_pos, maxval=lim_pos, dtype=jnp.float32)
    return {"input_ts": input_ts, "tokenembd": tokenembd, "pstnembd": pstnembd}

def reference(input_ts, tokenembd, pstnembd):
    # tf.nn.embedding_lookup -> gather rows
    x = jnp.take(tokenembd, input_ts, axis=0)  # [B, CTX, WIDTH]
    out_ts = x + pstnembd  # broadcast add of positional embedding [CTX, WIDTH]
    return out_ts

if __name__ == "__main__":
    import jax
    _d = setup_inputs()
    print(jax.jit(kernel)(*tuple(_d.values())))

</pallas_src>

<mosaic_0001>
#map = affine_map<(d0, d1) -> (0, 0, 0, 0)>
#map1 = affine_map<(d0, d1) -> (0, 0)>
#map2 = affine_map<(d0, d1) -> (0, 0, 0)>
module attributes {stable_mosaic.version = 14 : i64} {
  func.func @launch(%arg0: i32, %arg1: i32, %arg2: memref<32x32x1x80xi32, #tpu.memory_space<hbm>>, %arg3: memref<49408x512xf32, #tpu.memory_space<hbm>>, %arg4: memref<77x512xf32, #tpu.memory_space<hbm>>, %arg5: memref<1024x77x512xf32, #tpu.memory_space<hbm>>, %arg6: memref<32x1x80xi32, #tpu.memory_space<vmem>>, %arg7: memref<77x512xf32, #tpu.memory_space<vmem>>, %arg8: memref<80x512xf32, #tpu.memory_space<vmem>>, %arg9: memref<77x512xf32, #tpu.memory_space<vmem>>, %arg10: memref<!tpu.dma_semaphore, #tpu.memory_space<semaphore_mem>>) attributes {dimension_semantics = [#tpu.dimension_semantics<core_parallel>, #tpu.dimension_semantics<subcore_parallel>], iteration_bounds = array<i64: 2, 16>, scalar_prefetch = 0 : i64, scratch_operands = 5 : i64, tpu.core_type = #tpu.core_type<sc_vector_subcore>, window_params = [{transform_indices = #map}, {transform_indices = #map1}, {transform_indices = #map1}, {transform_indices = #map2}]} {
    %mul3A = arith.constant 2 : i32
    %mul3A_0 = arith.muli %arg1, %mul3A : i32
    %add3A = arith.addi %mul3A_0, %arg0 : i32
    %mul3A_1 = arith.constant 32 : i32
    %mul3A_2 = arith.muli %add3A, %mul3A_1 : i32
    "tpu.region"() ({
      %run_scoped3A = tpu.sem_alloc : memref<!tpu.dma_semaphore, #tpu.memory_space<semaphore_mem>>
      %dma_start3A_14 = arith.constant 0 : i32
      %dma_start3A_15 = arith.constant 0 : i32
      %dma_start3A_16 = arith.constant 0 : i32
      %dma_start3A_17 = tpu.memref_slice %arg2[%add3A, %dma_start3A_14, %dma_start3A_15, %dma_start3A_16] : memref<32x32x1x80xi32, #tpu.memory_space<hbm>> -> memref<1x32x1x80xi32, #tpu.memory_space<hbm>>
      %dma_start3A_18 = tpu.memref_squeeze %dma_start3A_17 : memref<1x32x1x80xi32, #tpu.memory_space<hbm>> -> memref<32x1x80xi32, #tpu.memory_space<hbm>>
      %dma_start3A_19 = arith.constant 0 : i32
      %dma_start3A_20 = arith.constant 0 : i32
      %dma_start3A_21 = arith.constant 0 : i32
      %dma_start3A_22 = tpu.memref_slice %arg2[%add3A, %dma_start3A_19, %dma_start3A_20, %dma_start3A_21] : memref<32x32x1x80xi32, #tpu.memory_space<hbm>> -> memref<1x32x1x80xi32, #tpu.memory_space<hbm>>
      %dma_start3A_23 = tpu.memref_squeeze %dma_start3A_22 : memref<1x32x1x80xi32, #tpu.memory_space<hbm>> -> memref<32x1x80xi32, #tpu.memory_space<hbm>>
      tpu.enqueue_dma source(%dma_start3A_23 : memref<32x1x80xi32, #tpu.memory_space<hbm>>) target(%arg6 : memref<32x1x80xi32, #tpu.memory_space<vmem>>) target_semaphore(%run_scoped3A : memref<!tpu.dma_semaphore, #tpu.memory_space<semaphore_mem>>)
      %dma_wait3A = arith.constant 0 : i32
      %dma_wait3A_24 = arith.constant 0 : i32
      %dma_wait3A_25 = arith.constant 0 : i32
      %dma_wait3A_26 = tpu.memref_slice %arg2[%add3A, %dma_wait3A, %dma_wait3A_24, %dma_wait3A_25] : memref<32x32x1x80xi32, #tpu.memory_space<hbm>> -> memref<1x32x1x80xi32, #tpu.memory_space<hbm>>
      %dma_wait3A_27 = tpu.memref_squeeze %dma_wait3A_26 : memref<1x32x1x80xi32, #tpu.memory_space<hbm>> -> memref<32x1x80xi32, #tpu.memory_space<hbm>>
      %dma_wait3A_28 = arith.constant 0 : i32
      %dma_wait3A_29 = arith.constant 0 : i32
      %dma_wait3A_30 = arith.constant 0 : i32
      %dma_wait3A_31 = tpu.memref_slice %arg2[%add3A, %dma_wait3A_28, %dma_wait3A_29, %dma_wait3A_30] : memref<32x32x1x80xi32, #tpu.memory_space<hbm>> -> memref<1x32x1x80xi32, #tpu.memory_space<hbm>>
      %dma_wait3A_32 = tpu.memref_squeeze %dma_wait3A_31 : memref<1x32x1x80xi32, #tpu.memory_space<hbm>> -> memref<32x1x80xi32, #tpu.memory_space<hbm>>
      tpu.wait_dma2 semaphore(%run_scoped3A : memref<!tpu.dma_semaphore, #tpu.memory_space<semaphore_mem>>) src(%dma_wait3A_32 : memref<32x1x80xi32, #tpu.memory_space<hbm>>) dst(%arg6 : memref<32x1x80xi32, #tpu.memory_space<vmem>>)
      tpu.yield
    }) : () -> ()
    "tpu.region"() ({
      %run_scoped3A = tpu.sem_alloc : memref<!tpu.dma_semaphore, #tpu.memory_space<semaphore_mem>>
      tpu.enqueue_dma source(%arg4 : memref<77x512xf32, #tpu.memory_space<hbm>>) target(%arg7 : memref<77x512xf32, #tpu.memory_space<vmem>>) target_semaphore(%run_scoped3A : memref<!tpu.dma_semaphore, #tpu.memory_space<semaphore_mem>>)
      tpu.wait_dma2 semaphore(%run_scoped3A : memref<!tpu.dma_semaphore, #tpu.memory_space<semaphore_mem>>) src(%arg4 : memref<77x512xf32, #tpu.memory_space<hbm>>) dst(%arg7 : memref<77x512xf32, #tpu.memory_space<vmem>>)
      tpu.yield
    }) : () -> ()
    %dma_start3A = arith.constant 0 : i32
    %dma_start3A_3 = arith.constant 0 : i32
    %dma_start3A_4 = arith.constant 0 : i32
    %dma_start3A_5 = tpu.memref_slice %arg6[%dma_start3A, %dma_start3A_3, %dma_start3A_4] : memref<32x1x80xi32, #tpu.memory_space<vmem>> -> memref<1x1x80xi32, #tpu.memory_space<vmem>>
    %dma_start3A_6 = tpu.memref_squeeze %dma_start3A_5 : memref<1x1x80xi32, #tpu.memory_space<vmem>> -> memref<80xi32, #tpu.memory_space<vmem>>
    %dma_start3A_7 = arith.constant 0 : i32
    %dma_start3A_8 = arith.constant 0 : i32
    %dma_start3A_9 = tpu.memref_slice %arg3[%dma_start3A_7, %dma_start3A_8] : memref<49408x512xf32, #tpu.memory_space<hbm>> -> memref<49408x512xf32, #tpu.memory_space<hbm>>
    tpu.enqueue_indirect_dma source(%dma_start3A_9 : memref<49408x512xf32, #tpu.memory_space<hbm>>) target(%arg8 : memref<80x512xf32, #tpu.memory_space<vmem>>) offsets(%dma_start3A_6 : memref<80xi32, #tpu.memory_space<vmem>>) semaphore(%arg10 : memref<!tpu.dma_semaphore, #tpu.memory_space<semaphore_mem>>)
    %scan3A = arith.constant 0 : i32
    %scan3A_10 = arith.constant 32 : i32
    %scan3A_11 = arith.addi %scan3A, %scan3A_10 : i32
    %scan3A_12 = arith.constant 1 : i32
    scf.for %scan3A_14 = %scan3A to %scan3A_11 step %scan3A_12  : i32 {
      %mul3A_15 = arith.constant 1 : i32
      %mul3A_16 = arith.muli %scan3A_14, %mul3A_15 : i32
      %add3A_17 = arith.constant 0 : i32
      %add3A_18 = arith.addi %add3A_17, %mul3A_16 : i32
      %dma_wait3A = arith.constant 0 : i32
      %dma_wait3A_19 = arith.constant 0 : i32
      %dma_wait3A_20 = arith.constant 0 : i32
      %dma_wait3A_21 = tpu.memref_slice %arg6[%dma_wait3A, %dma_wait3A_19, %dma_wait3A_20] : memref<32x1x80xi32, #tpu.memory_space<vmem>> -> memref<1x1x80xi32, #tpu.memory_space<vmem>>
      %dma_wait3A_22 = tpu.memref_squeeze %dma_wait3A_21 : memref<1x1x80xi32, #tpu.memory_space<vmem>> -> memref<80xi32, #tpu.memory_space<vmem>>
      %dma_wait3A_23 = arith.constant 0 : i32
      %dma_wait3A_24 = arith.constant 0 : i32
      %dma_wait3A_25 = tpu.memref_slice %arg3[%dma_wait3A_23, %dma_wait3A_24] : memref<49408x512xf32, #tpu.memory_space<hbm>> -> memref<49408x512xf32, #tpu.memory_space<hbm>>
      tpu.wait_indirect_dma semaphore(%arg10 : memref<!tpu.dma_semaphore, #tpu.memory_space<semaphore_mem>>) src(%dma_wait3A_25 : memref<49408x512xf32, #tpu.memory_space<hbm>>) dst(%arg8 : memref<80x512xf32, #tpu.memory_space<vmem>>)
      %scan3A_26 = arith.constant 0 : i32
      %scan3A_27 = arith.constant 0 : i32
      %scan3A_28 = arith.constant 32 : i32
      %scan3A_29 = arith.addi %scan3A_27, %scan3A_28 : i32
      %scan3A_30 = arith.constant 1 : i32
      scf.for %scan3A_37 = %scan3A_27 to %scan3A_29 step %scan3A_30  : i32 {
        %mul3A_38 = arith.constant 16 : i32
        %mul3A_39 = arith.muli %scan3A_37, %mul3A_38 : i32
        %get3A = arith.constant 0 : i32
        %get3A_40 = arith.index_cast %get3A : i32 to index
        %get3A_41 = arith.index_cast %mul3A_39 : i32 to index
        %get3A_42 = tpu.vector_load %arg8[%get3A_40, %get3A_41] {strides = array<i32>} : memref<80x512xf32, #tpu.memory_space<vmem>>, vector<1x16xf32>,
        %get3A_43 = vector.shape_cast %get3A_42 : vector<1x16xf32> to vector<16xf32>
        %get3A_44 = arith.constant 0 : i32
        %get3A_45 = arith.index_cast %get3A_44 : i32 to index
        %get3A_46 = arith.index_cast %mul3A_39 : i32 to index
        %get3A_47 = tpu.vector_load %arg7[%get3A_45, %get3A_46] {strides = array<i32>} : memref<77x512xf32, #tpu.memory_space<vmem>>, vector<1x16xf32>,
        %get3A_48 = vector.shape_cast %get3A_47 : vector<1x16xf32> to vector<16xf32>
        %add3A_49 = arith.addf %get3A_43, %get3A_48 : vector<16xf32>
        %swap3A = arith.constant 0 : i32
        %swap3A_50 = arith.index_cast %swap3A : i32 to index
        %swap3A_51 = arith.index_cast %mul3A_39 : i32 to index
        %swap3A_52 = tpu.vector_load %arg9[%swap3A_50, %swap3A_51] {strides = array<i32>} : memref<77x512xf32, #tpu.memory_space<vmem>>, vector<1x16xf32>,
        %swap3A_53 = vector.shape_cast %swap3A_52 : vector<1x16xf32> to vector<16xf32>
        %swap3A_54 = vector.shape_cast %add3A_49 : vector<16xf32> to vector<1x16xf32>
        tpu.vector_store %arg9[%swap3A_50, %swap3A_51], %swap3A_54 {strides = array<i32>} : memref<77x512xf32, #tpu.memory_space<vmem>>, vector<1x16xf32>,
        %get3A_55 = arith.constant 1 : i32
        %get3A_56 = arith.index_cast %get3A_55 : i32 to index
        %get3A_57 = arith.index_cast %mul3A_39 : i32 to index
        %get3A_58 = tpu.vector_load %arg8[%get3A_56, %get3A_57] {strides = array<i32>} : memref<80x512xf32, #tpu.memory_space<vmem>>, vector<1x16xf32>,
        %get3A_59 = vector.shape_cast %get3A_58 : vector<1x16xf32> to vector<16xf32>
        %get3A_60 = arith.constant 1 : i32
        %get3A_61 = arith.index_cast %get3A_60 : i32 to index
        %get3A_62 = arith.index_cast %mul3A_39 : i32 to index
        %get3A_63 = tpu.vector_load %arg7[%get3A_61, %get3A_62] {strides = array<i32>} : memref<77x512xf32, #tpu.memory_space<vmem>>, vector<1x16xf32>,
        %get3A_64 = vector.shape_cast %get3A_63 : vector<1x16xf32> to vector<16xf32>
        %add3A_65 = arith.addf %get3A_59, %get3A_64 : vector<16xf32>
        %swap3A_66 = arith.constant 1 : i32
        %swap3A_67 = arith.index_cast %swap3A_66 : i32 to index
        %swap3A_68 = arith.index_cast %mul3A_39 : i32 to index
        %swap3A_69 = tpu.vector_load %arg9[%swap3A_67, %swap3A_68] {strides = array<i32>} : memref<77x512xf32, #tpu.memory_space<vmem>>, vector<1x16xf32>,
        %swap3A_70 = vector.shape_cast %swap3A_69 : vector<1x16xf32> to vector<16xf32>
        %swap3A_71 = vector.shape_cast %add3A_65 : vector<16xf32> to vector<1x16xf32>
        tpu.vector_store %arg9[%swap3A_67, %swap3A_68], %swap3A_71 {strides = array<i32>} : memref<77x512xf32, #tpu.memory_space<vmem>>, vector<1x16xf32>,
        %get3A_72 = arith.constant 2 : i32
        %get3A_73 = arith.index_cast %get3A_72 : i32 to index
        %get3A_74 = arith.index_cast %mul3A_39 : i32 to index
        %get3A_75 = tpu.vector_load %arg8[%get3A_73, %get3A_74] {strides = array<i32>} : memref<80x512xf32, #tpu.memory_space<vmem>>, vector<1x16xf32>,
        %get3A_76 = vector.shape_cast %get3A_75 : vector<1x16xf32> to vector<16xf32>
        %get3A_77 = arith.constant 2 : i32
        %get3A_78 = arith.index_cast %get3A_77 : i32 to index
        %get3A_79 = arith.index_cast %mul3A_39 : i32 to index
        %get3A_80 = tpu.vector_load %arg7[%get3A_78, %get3A_79] {strides = array<i32>} : memref<77x512xf32, #tpu.memory_space<vmem>>, vector<1x16xf32>,
        %get3A_81 = vector.shape_cast %get3A_80 : vector<1x16xf32> to vector<16xf32>
        %add3A_82 = arith.addf %get3A_76, %get3A_81 : vector<16xf32>
        %swap3A_83 = arith.constant 2 : i32
        %swap3A_84 = arith.index_cast %swap3A_83 : i32 to index
        %swap3A_85 = arith.index_cast %mul3A_39 : i32 to index
        %swap3A_86 = tpu.vector_load %arg9[%swap3A_84, %swap3A_85] {strides = array<i32>} : memref<77x512xf32, #tpu.memory_space<vmem>>, vector<1x16xf32>,
        %swap3A_87 = vector.shape_cast %swap3A_86 : vector<1x16xf32> to vector<16xf32>
        %swap3A_88 = vector.shape_cast %add3A_82 : vector<16xf32> to vector<1x16xf32>
        tpu.vector_store %arg9[%swap3A_84, %swap3A_85], %swap3A_88 {strides = array<i32>} : memref<77x512xf32, #tpu.memory_space<vmem>>, vector<1x16xf32>,
        %get3A_89 = arith.constant 3 : i32
        %get3A_90 = arith.index_cast %get3A_89 : i32 to index
        %get3A_91 = arith.index_cast %mul3A_39 : i32 to index
        %get3A_92 = tpu.vector_load %arg8[%get3A_90, %get3A_91] {strides = array<i32>} : memref<80x512xf32, #tpu.memory_space<vmem>>, vector<1x16xf32>,
        %get3A_93 = vector.shape_cast %get3A_92 : vector<1x16xf32> to vector<16xf32>
        %get3A_94 = arith.constant 3 : i32
        %get3A_95 = arith.index_cast %get3A_94 : i32 to index
        %get3A_96 = arith.index_cast %mul3A_39 : i32 to index
        %get3A_97 = tpu.vector_load %arg7[%get3A_95, %get3A_96] {strides = array<i32>} : memref<77x512xf32, #tpu.memory_space<vmem>>, vector<1x16xf32>,
        %get3A_98 = vector.shape_cast %get3A_97 : vector<1x16xf32> to vector<16xf32>
        %add3A_99 = arith.addf %get3A_93, %get3A_98 : vector<16xf32>
        %swap3A_100 = arith.constant 3 : i32
        %swap3A_101 = arith.index_cast %swap3A_100 : i32 to index
        %swap3A_102 = arith.index_cast %mul3A_39 : i32 to index
        %swap3A_103 = tpu.vector_load %arg9[%swap3A_101, %swap3A_102] {strides = array<i32>} : memref<77x512xf32, #tpu.memory_space<vmem>>, vector<1x16xf32>,
        %swap3A_104 = vector.shape_cast %swap3A_103 : vector<1x16xf32> to vector<16xf32>
        %swap3A_105 = vector.shape_cast %add3A_99 : vector<16xf32> to vector<1x16xf32>
        tpu.vector_store %arg9[%swap3A_101, %swap3A_102], %swap3A_105 {strides = array<i32>} : memref<77x512xf32, #tpu.memory_space<vmem>>, vector<1x16xf32>,
        %get3A_106 = arith.constant 4 : i32
        %get3A_107 = arith.index_cast %get3A_106 : i32 to index
        %get3A_108 = arith.index_cast %mul3A_39 : i32 to index
        %get3A_109 = tpu.vector_load %arg8[%get3A_107, %get3A_108] {strides = array<i32>} : memref<80x512xf32, #tpu.memory_space<vmem>>, vector<1x16xf32>,
        %get3A_110 = vector.shape_cast %get3A_109 : vector<1x16xf32> to vector<16xf32>
        %get3A_111 = arith.constant 4 : i32
        %get3A_112 = arith.index_cast %get3A_111 : i32 to index
        %get3A_113 = arith.index_cast %mul3A_39 : i32 to index
        %get3A_114 = tpu.vector_load %arg7[%get3A_112, %get3A_113] {strides = array<i32>} : memref<77x512xf32, #tpu.memory_space<vmem>>, vector<1x16xf32>,
        %get3A_115 = vector.shape_cast %get3A_114 : vector<1x16xf32> to vector<16xf32>
        %add3A_116 = arith.addf %get3A_110, %get3A_115 : vector<16xf32>
        %swap3A_117 = arith.constant 4 : i32
        %swap3A_118 = arith.index_cast %swap3A_117 : i32 to index
        %swap3A_119 = arith.index_cast %mul3A_39 : i32 to index
        %swap3A_120 = tpu.vector_load %arg9[%swap3A_118, %swap3A_119] {strides = array<i32>} : memref<77x512xf32, #tpu.memory_space<vmem>>, vector<1x16xf32>,
        %swap3A_121 = vector.shape_cast %swap3A_120 : vector<1x16xf32> to vector<16xf32>
        %swap3A_122 = vector.shape_cast %add3A_116 : vector<16xf32> to vector<1x16xf32>
        tpu.vector_store %arg9[%swap3A_118, %swap3A_119], %swap3A_122 {strides = array<i32>} : memref<77x512xf32, #tpu.memory_space<vmem>>, vector<1x16xf32>,
        %get3A_123 = arith.constant 5 : i32
        %get3A_124 = arith.index_cast %get3A_123 : i32 to index
        %get3A_125 = arith.index_cast %mul3A_39 : i32 to index
        %get3A_126 = tpu.vector_load %arg8[%get3A_124, %get3A_125] {strides = array<i32>} : memref<80x512xf32, #tpu.memory_space<vmem>>, vector<1x16xf32>,
        %get3A_127 = vector.shape_cast %get3A_126 : vector<1x16xf32> to vector<16xf32>
        %get3A_128 = arith.constant 5 : i32
        %get3A_129 = arith.index_cast %get3A_128 : i32 to index
        %get3A_130 = arith.index_cast %mul3A_39 : i32 to index
        %get3A_131 = tpu.vector_load %arg7[%get3A_129, %get3A_130] {strides = array<i32>} : memref<77x512xf32, #tpu.memory_space<vmem>>, vector<1x16xf32>,
        %get3A_132 = vector.shape_cast %get3A_131 : vector<1x16xf32> to vector<16xf32>
        %add3A_133 = arith.addf %get3A_127, %get3A_132 : vector<16xf32>
        %swap3A_134 = arith.constant 5 : i32
        %swap3A_135 = arith.index_cast %swap3A_134 : i32 to index
        %swap3A_136 = arith.index_cast %mul3A_39 : i32 to index
        %swap3A_137 = tpu.vector_load %arg9[%swap3A_135, %swap3A_136] {strides = array<i32>} : memref<77x512xf32, #tpu.memory_space<vmem>>, vector<1x16xf32>,
        %swap3A_138 = vector.shape_cast %swap3A_137 : vector<1x16xf32> to vector<16xf32>
        %swap3A_139 = vector.shape_cast %add3A_133 : vector<16xf32> to vector<1x16xf32>
        tpu.vector_store %arg9[%swap3A_135, %swap3A_136], %swap3A_139 {strides = array<i32>} : memref<77x512xf32, #tpu.memory_space<vmem>>, vector<1x16xf32>,
        %get3A_140 = arith.constant 6 : i32
        %get3A_141 = arith.index_cast %get3A_140 : i32 to index
        %get3A_142 = arith.index_cast %mul3A_39 : i32 to index
        %get3A_143 = tpu.vector_load %arg8[%get3A_141, %get3A_142] {strides = array<i32>} : memref<80x512xf32, #tpu.memory_space<vmem>>, vector<1x16xf32>,
        %get3A_144 = vector.shape_cast %get3A_143 : vector<1x16xf32> to vector<16xf32>
        %get3A_145 = arith.constant 6 : i32
        %get3A_146 = arith.index_cast %get3A_145 : i32 to index
        %get3A_147 = arith.index_cast %mul3A_39 : i32 to index
        %get3A_148 = tpu.vector_load %arg7[%get3A_146, %get3A_147] {strides = array<i32>} : memref<77x512xf32, #tpu.memory_space<vmem>>, vector<1x16xf32>,
        %get3A_149 = vector.shape_cast %get3A_148 : vector<1x16xf32> to vector<16xf32>
        %add3A_150 = arith.addf %get3A_144, %get3A_149 : vector<16xf32>
        %swap3A_151 = arith.constant 6 : i32
        %swap3A_152 = arith.index_cast %swap3A_151 : i32 to index
        %swap3A_153 = arith.index_cast %mul3A_39 : i32 to index
        %swap3A_154 = tpu.vector_load %arg9[%swap3A_152, %swap3A_153] {strides = array<i32>} : memref<77x512xf32, #tpu.memory_space<vmem>>, vector<1x16xf32>,
        %swap3A_155 = vector.shape_cast %swap3A_154 : vector<1x16xf32> to vector<16xf32>
        %swap3A_156 = vector.shape_cast %add3A_150 : vector<16xf32> to vector<1x16xf32>
        tpu.vector_store %arg9[%swap3A_152, %swap3A_153], %swap3A_156 {strides = array<i32>} : memref<77x512xf32, #tpu.memory_space<vmem>>, vector<1x16xf32>,
        %get3A_157 = arith.constant 7 : i32
        %get3A_158 = arith.index_cast %get3A_157 : i32 to index
        %get3A_159 = arith.index_cast %mul3A_39 : i32 to index
        %get3A_160 = tpu.vector_load %arg8[%get3A_158, %get3A_159] {strides = array<i32>} : memref<80x512xf32, #tpu.memory_space<vmem>>, vector<1x16xf32>,
        %get3A_161 = vector.shape_cast %get3A_160 : vector<1x16xf32> to vector<16xf32>
        %get3A_162 = arith.constant 7 : i32
        %get3A_163 = arith.index_cast %get3A_162 : i32 to index
        %get3A_164 = arith.index_cast %mul3A_39 : i32 to index
        %get3A_165 = tpu.vector_load %arg7[%get3A_163, %get3A_164] {strides = array<i32>} : memref<77x512xf32, #tpu.memory_space<vmem>>, vector<1x16xf32>,
        %get3A_166 = vector.shape_cast %get3A_165 : vector<1x16xf32> to vector<16xf32>
        %add3A_167 = arith.addf %get3A_161, %get3A_166 : vector<16xf32>
        %swap3A_168 = arith.constant 7 : i32
        %swap3A_169 = arith.index_cast %swap3A_168 : i32 to index
        %swap3A_170 = arith.index_cast %mul3A_39 : i32 to index
        %swap3A_171 = tpu.vector_load %arg9[%swap3A_169, %swap3A_170] {strides = array<i32>} : memref<77x512xf32, #tpu.memory_space<vmem>>, vector<1x16xf32>,
        %swap3A_172 = vector.shape_cast %swap3A_171 : vector<1x16xf32> to vector<16xf32>
        %swap3A_173 = vector.shape_cast %add3A_167 : vector<16xf32> to vector<1x16xf32>
        tpu.vector_store %arg9[%swap3A_169, %swap3A_170], %swap3A_173 {strides = array<i32>} : memref<77x512xf32, #tpu.memory_space<vmem>>, vector<1x16xf32>,
        %get3A_174 = arith.constant 8 : i32
        %get3A_175 = arith.index_cast %get3A_174 : i32 to index
        %get3A_176 = arith.index_cast %mul3A_39 : i32 to index
        %get3A_177 = tpu.vector_load %arg8[%get3A_175, %get3A_176] {strides = array<i32>} : memref<80x512xf32, #tpu.memory_space<vmem>>, vector<1x16xf32>,
        %get3A_178 = vector.shape_cast %get3A_177 : vector<1x16xf32> to vector<16xf32>
        %get3A_179 = arith.constant 8 : i32
        %get3A_180 = arith.index_cast %get3A_179 : i32 to index
        %get3A_181 = arith.index_cast %mul3A_39 : i32 to index
        %get3A_182 = tpu.vector_load %arg7[%get3A_180, %get3A_181] {strides = array<i32>} : memref<77x512xf32, #tpu.memory_space<vmem>>, vector<1x16xf32>,
        %get3A_183 = vector.shape_cast %get3A_182 : vector<1x16xf32> to vector<16xf32>
        %add3A_184 = arith.addf %get3A_178, %get3A_183 : vector<16xf32>
        %swap3A_185 = arith.constant 8 : i32
        %swap3A_186 = arith.index_cast %swap3A_185 : i32 to index
        %swap3A_187 = arith.index_cast %mul3A_39 : i32 to index
        %swap3A_188 = tpu.vector_load %arg9[%swap3A_186, %swap3A_187] {strides = array<i32>} : memref<77x512xf32, #tpu.memory_space<vmem>>, vector<1x16xf32>,
        %swap3A_189 = vector.shape_cast %swap3A_188 : vector<1x16xf32> to vector<16xf32>
        %swap3A_190 = vector.shape_cast %add3A_184 : vector<16xf32> to vector<1x16xf32>
        tpu.vector_store %arg9[%swap3A_186, %swap3A_187], %swap3A_190 {strides = array<i32>} : memref<77x512xf32, #tpu.memory_space<vmem>>, vector<1x16xf32>,
        %get3A_191 = arith.constant 9 : i32
        %get3A_192 = arith.index_cast %get3A_191 : i32 to index
        %get3A_193 = arith.index_cast %mul3A_39 : i32 to index
        %get3A_194 = tpu.vector_load %arg8[%get3A_192, %get3A_193] {strides = array<i32>} : memref<80x512xf32, #tpu.memory_space<vmem>>, vector<1x16xf32>,
        %get3A_195 = vector.shape_cast %get3A_194 : vector<1x16xf32> to vector<16xf32>
        %get3A_196 = arith.constant 9 : i32
        %get3A_197 = arith.index_cast %get3A_196 : i32 to index
        %get3A_198 = arith.index_cast %mul3A_39 : i32 to index
        %get3A_199 = tpu.vector_load %arg7[%get3A_197, %get3A_198] {strides = array<i32>} : memref<77x512xf32, #tpu.memory_space<vmem>>, vector<1x16xf32>,
        %get3A_200 = vector.shape_cast %get3A_199 : vector<1x16xf32> to vector<16xf32>
        %add3A_201 = arith.addf %get3A_195, %get3A_200 : vector<16xf32>
        %swap3A_202 = arith.constant 9 : i32
        %swap3A_203 = arith.index_cast %swap3A_202 : i32 to index
        %swap3A_204 = arith.index_cast %mul3A_39 : i32 to index
        %swap3A_205 = tpu.vector_load %arg9[%swap3A_203, %swap3A_204] {strides = array<i32>} : memref<77x512xf32, #tpu.memory_space<vmem>>, vector<1x16xf32>,
        %swap3A_206 = vector.shape_cast %swap3A_205 : vector<1x16xf32> to vector<16xf32>
        %swap3A_207 = vector.shape_cast %add3A_201 : vector<16xf32> to vector<1x16xf32>
        tpu.vector_store %arg9[%swap3A_203, %swap3A_204], %swap3A_207 {strides = array<i32>} : memref<77x512xf32, #tpu.memory_space<vmem>>, vector<1x16xf32>,
        %get3A_208 = arith.constant 10 : i32
        %get3A_209 = arith.index_cast %get3A_208 : i32 to index
        %get3A_210 = arith.index_cast %mul3A_39 : i32 to index
        %get3A_211 = tpu.vector_load %arg8[%get3A_209, %get3A_210] {strides = array<i32>} : memref<80x512xf32, #tpu.memory_space<vmem>>, vector<1x16xf32>,
        %get3A_212 = vector.shape_cast %get3A_211 : vector<1x16xf32> to vector<16xf32>
        %get3A_213 = arith.constant 10 : i32
        %get3A_214 = arith.index_cast %get3A_213 : i32 to index
        %get3A_215 = arith.index_cast %mul3A_39 : i32 to index
        %get3A_216 = tpu.vector_load %arg7[%get3A_214, %get3A_215] {strides = array<i32>} : memref<77x512xf32, #tpu.memory_space<vmem>>, vector<1x16xf32>,
        %get3A_217 = vector.shape_cast %get3A_216 : vector<1x16xf32> to vector<16xf32>
        %add3A_218 = arith.addf %get3A_212, %get3A_217 : vector<16xf32>
        %swap3A_219 = arith.constant 10 : i32
        %swap3A_220 = arith.index_cast %swap3A_219 : i32 to index
        %swap3A_221 = arith.index_cast %mul3A_39 : i32 to index
        %swap3A_222 = tpu.vector_load %arg9[%swap3A_220, %swap3A_221] {strides = array<i32>} : memref<77x512xf32, #tpu.memory_space<vmem>>, vector<1x16xf32>,
        %swap3A_223 = vector.shape_cast %swap3A_222 : vector<1x16xf32> to vector<16xf32>
        %swap3A_224 = vector.shape_cast %add3A_218 : vector<16xf32> to vector<1x16xf32>
        tpu.vector_store %arg9[%swap3A_220, %swap3A_221], %swap3A_224 {strides = array<i32>} : memref<77x512xf32, #tpu.memory_space<vmem>>, vector<1x16xf32>,
        %get3A_225 = arith.constant 11 : i32
        %get3A_226 = arith.index_cast %get3A_225 : i32 to index
        %get3A_227 = arith.index_cast %mul3A_39 : i32 to index
        %get3A_228 = tpu.vector_load %arg8[%get3A_226, %get3A_227] {strides = array<i32>} : memref<80x512xf32, #tpu.memory_space<vmem>>, vector<1x16xf32>,
        %get3A_229 = vector.shape_cast %get3A_228 : vector<1x16xf32> to vector<16xf32>
        %get3A_230 = arith.constant 11 : i32
        %get3A_231 = arith.index_cast %get3A_230 : i32 to index
        %get3A_232 = arith.index_cast %mul3A_39 : i32 to index
        %get3A_233 = tpu.vector_load %arg7[%get3A_231, %get3A_232] {strides = array<i32>} : memref<77x512xf32, #tpu.memory_space<vmem>>, vector<1x16xf32>,
        %get3A_234 = vector.shape_cast %get3A_233 : vector<1x16xf32> to vector<16xf32>
        %add3A_235 = arith.addf %get3A_229, %get3A_234 : vector<16xf32>
        %swap3A_236 = arith.constant 11 : i32
        %swap3A_237 = arith.index_cast %swap3A_236 : i32 to index
        %swap3A_238 = arith.index_cast %mul3A_39 : i32 to index
        %swap3A_239 = tpu.vector_load %arg9[%swap3A_237, %swap3A_238] {strides = array<i32>} : memref<77x512xf32, #tpu.memory_space<vmem>>, vector<1x16xf32>,
        %swap3A_240 = vector.shape_cast %swap3A_239 : vector<1x16xf32> to vector<16xf32>
        %swap3A_241 = vector.shape_cast %add3A_235 : vector<16xf32> to vector<1x16xf32>
        tpu.vector_store %arg9[%swap3A_237, %swap3A_238], %swap3A_241 {strides = array<i32>} : memref<77x512xf32, #tpu.memory_space<vmem>>, vector<1x16xf32>,
        %get3A_242 = arith.constant 12 : i32
        %get3A_243 = arith.index_cast %get3A_242 : i32 to index
        %get3A_244 = arith.index_cast %mul3A_39 : i32 to index
        %get3A_245 = tpu.vector_load %arg8[%get3A_243, %get3A_244] {strides = array<i32>} : memref<80x512xf32, #tpu.memory_space<vmem>>, vector<1x16xf32>,
        %get3A_246 = vector.shape_cast %get3A_245 : vector<1x16xf32> to vector<16xf32>
        %get3A_247 = arith.constant 12 : i32
        %get3A_248 = arith.index_cast %get3A_247 : i32 to index
        %get3A_249 = arith.index_cast %mul3A_39 : i32 to index
        %get3A_250 = tpu.vector_load %arg7[%get3A_248, %get3A_249] {strides = array<i32>} : memref<77x512xf32, #tpu.memory_space<vmem>>, vector<1x16xf32>,
        %get3A_251 = vector.shape_cast %get3A_250 : vector<1x16xf32> to vector<16xf32>
        %add3A_252 = arith.addf %get3A_246, %get3A_251 : vector<16xf32>
        %swap3A_253 = arith.constant 12 : i32
        %swap3A_254 = arith.index_cast %swap3A_253 : i32 to index
        %swap3A_255 = arith.index_cast %mul3A_39 : i32 to index
        %swap3A_256 = tpu.vector_load %arg9[%swap3A_254, %swap3A_255] {strides = array<i32>} : memref<77x512xf32, #tpu.memory_space<vmem>>, vector<1x16xf32>,
        %swap3A_257 = vector.shape_cast %swap3A_256 : vector<1x16xf32> to vector<16xf32>
        %swap3A_258 = vector.shape_cast %add3A_252 : vector<16xf32> to vector<1x16xf32>
        tpu.vector_store %arg9[%swap3A_254, %swap3A_255], %swap3A_258 {strides = array<i32>} : memref<77x512xf32, #tpu.memory_space<vmem>>, vector<1x16xf32>,
        %get3A_259 = arith.constant 13 : i32
        %get3A_260 = arith.index_cast %get3A_259 : i32 to index
        %get3A_261 = arith.index_cast %mul3A_39 : i32 to index
        %get3A_262 = tpu.vector_load %arg8[%get3A_260, %get3A_261] {strides = array<i32>} : memref<80x512xf32, #tpu.memory_space<vmem>>, vector<1x16xf32>,
        %get3A_263 = vector.shape_cast %get3A_262 : vector<1x16xf32> to vector<16xf32>
        %get3A_264 = arith.constant 13 : i32
        %get3A_265 = arith.index_cast %get3A_264 : i32 to index
        %get3A_266 = arith.index_cast %mul3A_39 : i32 to index
        %get3A_267 = tpu.vector_load %arg7[%get3A_265, %get3A_266] {strides = array<i32>} : memref<77x512xf32, #tpu.memory_space<vmem>>, vector<1x16xf32>,
        %get3A_268 = vector.shape_cast %get3A_267 : vector<1x16xf32> to vector<16xf32>
        %add3A_269 = arith.addf %get3A_263, %get3A_268 : vector<16xf32>
        %swap3A_270 = arith.constant 13 : i32
        %swap3A_271 = arith.index_cast %swap3A_270 : i32 to index
        %swap3A_272 = arith.index_cast %mul3A_39 : i32 to index
        %swap3A_273 = tpu.vector_load %arg9[%swap3A_271, %swap3A_272] {strides = array<i32>} : memref<77x512xf32, #tpu.memory_space<vmem>>, vector<1x16xf32>,
        %swap3A_274 = vector.shape_cast %swap3A_273 : vector<1x16xf32> to vector<16xf32>
        %swap3A_275 = vector.shape_cast %add3A_269 : vector<16xf32> to vector<1x16xf32>
        tpu.vector_store %arg9[%swap3A_271, %swap3A_272], %swap3A_275 {strides = array<i32>} : memref<77x512xf32, #tpu.memory_space<vmem>>, vector<1x16xf32>,
        %get3A_276 = arith.constant 14 : i32
        %get3A_277 = arith.index_cast %get3A_276 : i32 to index
        %get3A_278 = arith.index_cast %mul3A_39 : i32 to index
        %get3A_279 = tpu.vector_load %arg8[%get3A_277, %get3A_278] {strides = array<i32>} : memref<80x512xf32, #tpu.memory_space<vmem>>, vector<1x16xf32>,
        %get3A_280 = vector.shape_cast %get3A_279 : vector<1x16xf32> to vector<16xf32>
        %get3A_281 = arith.constant 14 : i32
        %get3A_282 = arith.index_cast %get3A_281 : i32 to index
        %get3A_283 = arith.index_cast %mul3A_39 : i32 to index
        %get3A_284 = tpu.vector_load %arg7[%get3A_282, %get3A_283] {strides = array<i32>} : memref<77x512xf32, #tpu.memory_space<vmem>>, vector<1x16xf32>,
        %get3A_285 = vector.shape_cast %get3A_284 : vector<1x16xf32> to vector<16xf32>
        %add3A_286 = arith.addf %get3A_280, %get3A_285 : vector<16xf32>
        %swap3A_287 = arith.constant 14 : i32
        %swap3A_288 = arith.index_cast %swap3A_287 : i32 to index
        %swap3A_289 = arith.index_cast %mul3A_39 : i32 to index
        %swap3A_290 = tpu.vector_load %arg9[%swap3A_288, %swap3A_289] {strides = array<i32>} : memref<77x512xf32, #tpu.memory_space<vmem>>, vector<1x16xf32>,
        %swap3A_291 = vector.shape_cast %swap3A_290 : vector<1x16xf32> to vector<16xf32>
        %swap3A_292 = vector.shape_cast %add3A_286 : vector<16xf32> to vector<1x16xf32>
        tpu.vector_store %arg9[%swap3A_288, %swap3A_289], %swap3A_292 {strides = array<i32>} : memref<77x512xf32, #tpu.memory_space<vmem>>, vector<1x16xf32>,
        %get3A_293 = arith.constant 15 : i32
        %get3A_294 = arith.index_cast %get3A_293 : i32 to index
        %get3A_295 = arith.index_cast %mul3A_39 : i32 to index
        %get3A_296 = tpu.vector_load %arg8[%get3A_294, %get3A_295] {strides = array<i32>} : memref<80x512xf32, #tpu.memory_space<vmem>>, vector<1x16xf32>,
        %get3A_297 = vector.shape_cast %get3A_296 : vector<1x16xf32> to vector<16xf32>
        %get3A_298 = arith.constant 15 : i32
        %get3A_299 = arith.index_cast %get3A_298 : i32 to index
        %get3A_300 = arith.index_cast %mul3A_39 : i32 to index
        %get3A_301 = tpu.vector_load %arg7[%get3A_299, %get3A_300] {strides = array<i32>} : memref<77x512xf32, #tpu.memory_space<vmem>>, vector<1x16xf32>,
        %get3A_302 = vector.shape_cast %get3A_301 : vector<1x16xf32> to vector<16xf32>
        %add3A_303 = arith.addf %get3A_297, %get3A_302 : vector<16xf32>
        %swap3A_304 = arith.constant 15 : i32
        %swap3A_305 = arith.index_cast %swap3A_304 : i32 to index
        %swap3A_306 = arith.index_cast %mul3A_39 : i32 to index
        %swap3A_307 = tpu.vector_load %arg9[%swap3A_305, %swap3A_306] {strides = array<i32>} : memref<77x512xf32, #tpu.memory_space<vmem>>, vector<1x16xf32>,
        %swap3A_308 = vector.shape_cast %swap3A_307 : vector<1x16xf32> to vector<16xf32>
        %swap3A_309 = vector.shape_cast %add3A_303 : vector<16xf32> to vector<1x16xf32>
        tpu.vector_store %arg9[%swap3A_305, %swap3A_306], %swap3A_309 {strides = array<i32>} : memref<77x512xf32, #tpu.memory_space<vmem>>, vector<1x16xf32>,
        %get3A_310 = arith.constant 16 : i32
        %get3A_311 = arith.index_cast %get3A_310 : i32 to index
        %get3A_312 = arith.index_cast %mul3A_39 : i32 to index
        %get3A_313 = tpu.vector_load %arg8[%get3A_311, %get3A_312] {strides = array<i32>} : memref<80x512xf32, #tpu.memory_space<vmem>>, vector<1x16xf32>,
        %get3A_314 = vector.shape_cast %get3A_313 : vector<1x16xf32> to vector<16xf32>
        %get3A_315 = arith.constant 16 : i32
        %get3A_316 = arith.index_cast %get3A_315 : i32 to index
        %get3A_317 = arith.index_cast %mul3A_39 : i32 to index
        %get3A_318 = tpu.vector_load %arg7[%get3A_316, %get3A_317] {strides = array<i32>} : memref<77x512xf32, #tpu.memory_space<vmem>>, vector<1x16xf32>,
        %get3A_319 = vector.shape_cast %get3A_318 : vector<1x16xf32> to vector<16xf32>
        %add3A_320 = arith.addf %get3A_314, %get3A_319 : vector<16xf32>
        %swap3A_321 = arith.constant 16 : i32
        %swap3A_322 = arith.index_cast %swap3A_321 : i32 to index
        %swap3A_323 = arith.index_cast %mul3A_39 : i32 to index
        %swap3A_324 = tpu.vector_load %arg9[%swap3A_322, %swap3A_323] {strides = array<i32>} : memref<77x512xf32, #tpu.memory_space<vmem>>, vector<1x16xf32>,
        %swap3A_325 = vector.shape_cast %swap3A_324 : vector<1x16xf32> to vector<16xf32>
        %swap3A_326 = vector.shape_cast %add3A_320 : vector<16xf32> to vector<1x16xf32>
        tpu.vector_store %arg9[%swap3A_322, %swap3A_323], %swap3A_326 {strides = array<i32>} : memref<77x512xf32, #tpu.memory_space<vmem>>, vector<1x16xf32>,
        %get3A_327 = arith.constant 17 : i32
        %get3A_328 = arith.index_cast %get3A_327 : i32 to index
        %get3A_329 = arith.index_cast %mul3A_39 : i32 to index
        %get3A_330 = tpu.vector_load %arg8[%get3A_328, %get3A_329] {strides = array<i32>} : memref<80x512xf32, #tpu.memory_space<vmem>>, vector<1x16xf32>,
        %get3A_331 = vector.shape_cast %get3A_330 : vector<1x16xf32> to vector<16xf32>
        %get3A_332 = arith.constant 17 : i32
        %get3A_333 = arith.index_cast %get3A_332 : i32 to index
        %get3A_334 = arith.index_cast %mul3A_39 : i32 to index
        %get3A_335 = tpu.vector_load %arg7[%get3A_333, %get3A_334] {strides = array<i32>} : memref<77x512xf32, #tpu.memory_space<vmem>>, vector<1x16xf32>,
        %get3A_336 = vector.shape_cast %get3A_335 : vector<1x16xf32> to vector<16xf32>
        %add3A_337 = arith.addf %get3A_331, %get3A_336 : vector<16xf32>
        %swap3A_338 = arith.constant 17 : i32
        %swap3A_339 = arith.index_cast %swap3A_338 : i32 to index
        %swap3A_340 = arith.index_cast %mul3A_39 : i32 to index
        %swap3A_341 = tpu.vector_load %arg9[%swap3A_339, %swap3A_340] {strides = array<i32>} : memref<77x512xf32, #tpu.memory_space<vmem>>, vector<1x16xf32>,
        %swap3A_342 = vector.shape_cast %swap3A_341 : vector<1x16xf32> to vector<16xf32>
        %swap3A_343 = vector.shape_cast %add3A_337 : vector<16xf32> to vector<1x16xf32>
        tpu.vector_store %arg9[%swap3A_339, %swap3A_340], %swap3A_343 {strides = array<i32>} : memref<77x512xf32, #tpu.memory_space<vmem>>, vector<1x16xf32>,
        %get3A_344 = arith.constant 18 : i32
        %get3A_345 = arith.index_cast %get3A_344 : i32 to index
        %get3A_346 = arith.index_cast %mul3A_39 : i32 to index
        %get3A_347 = tpu.vector_load %arg8[%get3A_345, %get3A_346] {strides = array<i32>} : memref<80x512xf32, #tpu.memory_space<vmem>>, vector<1x16xf32>,
        %get3A_348 = vector.shape_cast %get3A_347 : vector<1x16xf32> to vector<16xf32>
        %get3A_349 = arith.constant 18 : i32
        %get3A_350 = arith.index_cast %get3A_349 : i32 to index
        %get3A_351 = arith.index_cast %mul3A_39 : i32 to index
        %get3A_352 = tpu.vector_load %arg7[%get3A_350, %get3A_351] {strides = array<i32>} : memref<77x512xf32, #tpu.memory_space<vmem>>, vector<1x16xf32>,
        %get3A_353 = vector.shape_cast %get3A_352 : vector<1x16xf32> to vector<16xf32>
        %add3A_354 = arith.addf %get3A_348, %get3A_353 : vector<16xf32>
        %swap3A_355 = arith.constant 18 : i32
        %swap3A_356 = arith.index_cast %swap3A_355 : i32 to index
        %swap3A_357 = arith.index_cast %mul3A_39 : i32 to index
        %swap3A_358 = tpu.vector_load %arg9[%swap3A_356, %swap3A_357] {strides = array<i32>} : memref<77x512xf32, #tpu.memory_space<vmem>>, vector<1x16xf32>,
        %swap3A_359 = vector.shape_cast %swap3A_358 : vector<1x16xf32> to vector<16xf32>
        %swap3A_360 = vector.shape_cast %add3A_354 : vector<16xf32> to vector<1x16xf32>
        tpu.vector_store %arg9[%swap3A_356, %swap3A_357], %swap3A_360 {strides = array<i32>} : memref<77x512xf32, #tpu.memory_space<vmem>>, vector<1x16xf32>,
        %get3A_361 = arith.constant 19 : i32
        %get3A_362 = arith.index_cast %get3A_361 : i32 to index
        %get3A_363 = arith.index_cast %mul3A_39 : i32 to index
        %get3A_364 = tpu.vector_load %arg8[%get3A_362, %get3A_363] {strides = array<i32>} : memref<80x512xf32, #tpu.memory_space<vmem>>, vector<1x16xf32>,
        %get3A_365 = vector.shape_cast %get3A_364 : vector<1x16xf32> to vector<16xf32>
        %get3A_366 = arith.constant 19 : i32
        %get3A_367 = arith.index_cast %get3A_366 : i32 to index
        %get3A_368 = arith.index_cast %mul3A_39 : i32 to index
        %get3A_369 = tpu.vector_load %arg7[%get3A_367, %get3A_368] {strides = array<i32>} : memref<77x512xf32, #tpu.memory_space<vmem>>, vector<1x16xf32>,
        %get3A_370 = vector.shape_cast %get3A_369 : vector<1x16xf32> to vector<16xf32>
        %add3A_371 = arith.addf %get3A_365, %get3A_370 : vector<16xf32>
        %swap3A_372 = arith.constant 19 : i32
        %swap3A_373 = arith.index_cast %swap3A_372 : i32 to index
        %swap3A_374 = arith.index_cast %mul3A_39 : i32 to index
        %swap3A_375 = tpu.vector_load %arg9[%swap3A_373, %swap3A_374] {strides = array<i32>} : memref<77x512xf32, #tpu.memory_space<vmem>>, vector<1x16xf32>,
        %swap3A_376 = vector.shape_cast %swap3A_375 : vector<1x16xf32> to vector<16xf32>
        %swap3A_377 = vector.shape_cast %add3A_371 : vector<16xf32> to vector<1x16xf32>
        tpu.vector_store %arg9[%swap3A_373, %swap3A_374], %swap3A_377 {strides = array<i32>} : memref<77x512xf32, #tpu.memory_space<vmem>>, vector<1x16xf32>,
        %get3A_378 = arith.constant 20 : i32
        %get3A_379 = arith.index_cast %get3A_378 : i32 to index
        %get3A_380 = arith.index_cast %mul3A_39 : i32 to index
        %get3A_381 = tpu.vector_load %arg8[%get3A_379, %get3A_380] {strides = array<i32>} : memref<80x512xf32, #tpu.memory_space<vmem>>, vector<1x16xf32>,
        %get3A_382 = vector.shape_cast %get3A_381 : vector<1x16xf32> to vector<16xf32>
        %get3A_383 = arith.constant 20 : i32
        %get3A_384 = arith.index_cast %get3A_383 : i32 to index
        %get3A_385 = arith.index_cast %mul3A_39 : i32 to index
        %get3A_386 = tpu.vector_load %arg7[%get3A_384, %get3A_385] {strides = array<i32>} : memref<77x512xf32, #tpu.memory_space<vmem>>, vector<1x16xf32>,
        %get3A_387 = vector.shape_cast %get3A_386 : vector<1x16xf32> to vector<16xf32>
        %add3A_388 = arith.addf %get3A_382, %get3A_387 : vector<16xf32>
        %swap3A_389 = arith.constant 20 : i32
        %swap3A_390 = arith.index_cast %swap3A_389 : i32 to index
        %swap3A_391 = arith.index_cast %mul3A_39 : i32 to index
        %swap3A_392 = tpu.vector_load %arg9[%swap3A_390, %swap3A_391] {strides = array<i32>} : memref<77x512xf32, #tpu.memory_space<vmem>>, vector<1x16xf32>,
        %swap3A_393 = vector.shape_cast %swap3A_392 : vector<1x16xf32> to vector<16xf32>
        %swap3A_394 = vector.shape_cast %add3A_388 : vector<16xf32> to vector<1x16xf32>
        tpu.vector_store %arg9[%swap3A_390, %swap3A_391], %swap3A_394 {strides = array<i32>} : memref<77x512xf32, #tpu.memory_space<vmem>>, vector<1x16xf32>,
        %get3A_395 = arith.constant 21 : i32
        %get3A_396 = arith.index_cast %get3A_395 : i32 to index
        %get3A_397 = arith.index_cast %mul3A_39 : i32 to index
        %get3A_398 = tpu.vector_load %arg8[%get3A_396, %get3A_397] {strides = array<i32>} : memref<80x512xf32, #tpu.memory_space<vmem>>, vector<1x16xf32>,
        %get3A_399 = vector.shape_cast %get3A_398 : vector<1x16xf32> to vector<16xf32>
        %get3A_400 = arith.constant 21 : i32
        %get3A_401 = arith.index_cast %get3A_400 : i32 to index
        %get3A_402 = arith.index_cast %mul3A_39 : i32 to index
        %get3A_403 = tpu.vector_load %arg7[%get3A_401, %get3A_402] {strides = array<i32>} : memref<77x512xf32, #tpu.memory_space<vmem>>, vector<1x16xf32>,
        %get3A_404 = vector.shape_cast %get3A_403 : vector<1x16xf32> to vector<16xf32>
        %add3A_405 = arith.addf %get3A_399, %get3A_404 : vector<16xf32>
        %swap3A_406 = arith.constant 21 : i32
        %swap3A_407 = arith.index_cast %swap3A_406 : i32 to index
        %swap3A_408 = arith.index_cast %mul3A_39 : i32 to index
        %swap3A_409 = tpu.vector_load %arg9[%swap3A_407, %swap3A_408] {strides = array<i32>} : memref<77x512xf32, #tpu.memory_space<vmem>>, vector<1x16xf32>,
        %swap3A_410 = vector.shape_cast %swap3A_409 : vector<1x16xf32> to vector<16xf32>
        %swap3A_411 = vector.shape_cast %add3A_405 : vector<16xf32> to vector<1x16xf32>
        tpu.vector_store %arg9[%swap3A_407, %swap3A_408], %swap3A_411 {strides = array<i32>} : memref<77x512xf32, #tpu.memory_space<vmem>>, vector<1x16xf32>,
        %get3A_412 = arith.constant 22 : i32
        %get3A_413 = arith.index_cast %get3A_412 : i32 to index
        %get3A_414 = arith.index_cast %mul3A_39 : i32 to index
        %get3A_415 = tpu.vector_load %arg8[%get3A_413, %get3A_414] {strides = array<i32>} : memref<80x512xf32, #tpu.memory_space<vmem>>, vector<1x16xf32>,
        %get3A_416 = vector.shape_cast %get3A_415 : vector<1x16xf32> to vector<16xf32>
        %get3A_417 = arith.constant 22 : i32
        %get3A_418 = arith.index_cast %get3A_417 : i32 to index
        %get3A_419 = arith.index_cast %mul3A_39 : i32 to index
        %get3A_420 = tpu.vector_load %arg7[%get3A_418, %get3A_419] {strides = array<i32>} : memref<77x512xf32, #tpu.memory_space<vmem>>, vector<1x16xf32>,
        %get3A_421 = vector.shape_cast %get3A_420 : vector<1x16xf32> to vector<16xf32>
        %add3A_422 = arith.addf %get3A_416, %get3A_421 : vector<16xf32>
        %swap3A_423 = arith.constant 22 : i32
        %swap3A_424 = arith.index_cast %swap3A_423 : i32 to index
        %swap3A_425 = arith.index_cast %mul3A_39 : i32 to index
        %swap3A_426 = tpu.vector_load %arg9[%swap3A_424, %swap3A_425] {strides = array<i32>} : memref<77x512xf32, #tpu.memory_space<vmem>>, vector<1x16xf32>,
        %swap3A_427 = vector.shape_cast %swap3A_426 : vector<1x16xf32> to vector<16xf32>
        %swap3A_428 = vector.shape_cast %add3A_422 : vector<16xf32> to vector<1x16xf32>
        tpu.vector_store %arg9[%swap3A_424, %swap3A_425], %swap3A_428 {strides = array<i32>} : memref<77x512xf32, #tpu.memory_space<vmem>>, vector<1x16xf32>,
        %get3A_429 = arith.constant 23 : i32
        %get3A_430 = arith.index_cast %get3A_429 : i32 to index
        %get3A_431 = arith.index_cast %mul3A_39 : i32 to index
        %get3A_432 = tpu.vector_load %arg8[%get3A_430, %get3A_431] {strides = array<i32>} : memref<80x512xf32, #tpu.memory_space<vmem>>, vector<1x16xf32>,
        %get3A_433 = vector.shape_cast %get3A_432 : vector<1x16xf32> to vector<16xf32>
        %get3A_434 = arith.constant 23 : i32
        %get3A_435 = arith.index_cast %get3A_434 : i32 to index
        %get3A_436 = arith.index_cast %mul3A_39 : i32 to index
        %get3A_437 = tpu.vector_load %arg7[%get3A_435, %get3A_436] {strides = array<i32>} : memref<77x512xf32, #tpu.memory_space<vmem>>, vector<1x16xf32>,
        %get3A_438 = vector.shape_cast %get3A_437 : vector<1x16xf32> to vector<16xf32>
        %add3A_439 = arith.addf %get3A_433, %get3A_438 : vector<16xf32>
        %swap3A_440 = arith.constant 23 : i32
        %swap3A_441 = arith.index_cast %swap3A_440 : i32 to index
        %swap3A_442 = arith.index_cast %mul3A_39 : i32 to index
        %swap3A_443 = tpu.vector_load %arg9[%swap3A_441, %swap3A_442] {strides = array<i32>} : memref<77x512xf32, #tpu.memory_space<vmem>>, vector<1x16xf32>,
        %swap3A_444 = vector.shape_cast %swap3A_443 : vector<1x16xf32> to vector<16xf32>
        %swap3A_445 = vector.shape_cast %add3A_439 : vector<16xf32> to vector<1x16xf32>
        tpu.vector_store %arg9[%swap3A_441, %swap3A_442], %swap3A_445 {strides = array<i32>} : memref<77x512xf32, #tpu.memory_space<vmem>>, vector<1x16xf32>,
        %get3A_446 = arith.constant 24 : i32
        %get3A_447 = arith.index_cast %get3A_446 : i32 to index
        %get3A_448 = arith.index_cast %mul3A_39 : i32 to index
        %get3A_449 = tpu.vector_load %arg8[%get3A_447, %get3A_448] {strides = array<i32>} : memref<80x512xf32, #tpu.memory_space<vmem>>, vector<1x16xf32>,
        %get3A_450 = vector.shape_cast %get3A_449 : vector<1x16xf32> to vector<16xf32>
        %get3A_451 = arith.constant 24 : i32
        %get3A_452 = arith.index_cast %get3A_451 : i32 to index
        %get3A_453 = arith.index_cast %mul3A_39 : i32 to index
        %get3A_454 = tpu.vector_load %arg7[%get3A_452, %get3A_453] {strides = array<i32>} : memref<77x512xf32, #tpu.memory_space<vmem>>, vector<1x16xf32>,
        %get3A_455 = vector.shape_cast %get3A_454 : vector<1x16xf32> to vector<16xf32>
        %add3A_456 = arith.addf %get3A_450, %get3A_455 : vector<16xf32>
        %swap3A_457 = arith.constant 24 : i32
        %swap3A_458 = arith.index_cast %swap3A_457 : i32 to index
        %swap3A_459 = arith.index_cast %mul3A_39 : i32 to index
        %swap3A_460 = tpu.vector_load %arg9[%swap3A_458, %swap3A_459] {strides = array<i32>} : memref<77x512xf32, #tpu.memory_space<vmem>>, vector<1x16xf32>,
        %swap3A_461 = vector.shape_cast %swap3A_460 : vector<1x16xf32> to vector<16xf32>
        %swap3A_462 = vector.shape_cast %add3A_456 : vector<16xf32> to vector<1x16xf32>
        tpu.vector_store %arg9[%swap3A_458, %swap3A_459], %swap3A_462 {strides = array<i32>} : memref<77x512xf32, #tpu.memory_space<vmem>>, vector<1x16xf32>,
        %get3A_463 = arith.constant 25 : i32
        %get3A_464 = arith.index_cast %get3A_463 : i32 to index
        %get3A_465 = arith.index_cast %mul3A_39 : i32 to index
        %get3A_466 = tpu.vector_load %arg8[%get3A_464, %get3A_465] {strides = array<i32>} : memref<80x512xf32, #tpu.memory_space<vmem>>, vector<1x16xf32>,
        %get3A_467 = vector.shape_cast %get3A_466 : vector<1x16xf32> to vector<16xf32>
        %get3A_468 = arith.constant 25 : i32
        %get3A_469 = arith.index_cast %get3A_468 : i32 to index
        %get3A_470 = arith.index_cast %mul3A_39 : i32 to index
        %get3A_471 = tpu.vector_load %arg7[%get3A_469, %get3A_470] {strides = array<i32>} : memref<77x512xf32, #tpu.memory_space<vmem>>, vector<1x16xf32>,
        %get3A_472 = vector.shape_cast %get3A_471 : vector<1x16xf32> to vector<16xf32>
        %add3A_473 = arith.addf %get3A_467, %get3A_472 : vector<16xf32>
        %swap3A_474 = arith.constant 25 : i32
        %swap3A_475 = arith.index_cast %swap3A_474 : i32 to index
        %swap3A_476 = arith.index_cast %mul3A_39 : i32 to index
        %swap3A_477 = tpu.vector_load %arg9[%swap3A_475, %swap3A_476] {strides = array<i32>} : memref<77x512xf32, #tpu.memory_space<vmem>>, vector<1x16xf32>,
        %swap3A_478 = vector.shape_cast %swap3A_477 : vector<1x16xf32> to vector<16xf32>
        %swap3A_479 = vector.shape_cast %add3A_473 : vector<16xf32> to vector<1x16xf32>
        tpu.vector_store %arg9[%swap3A_475, %swap3A_476], %swap3A_479 {strides = array<i32>} : memref<77x512xf32, #tpu.memory_space<vmem>>, vector<1x16xf32>,
        %get3A_480 = arith.constant 26 : i32
        %get3A_481 = arith.index_cast %get3A_480 : i32 to index
        %get3A_482 = arith.index_cast %mul3A_39 : i32 to index
        %get3A_483 = tpu.vector_load %arg8[%get3A_481, %get3A_482] {strides = array<i32>} : memref<80x512xf32, #tpu.memory_space<vmem>>, vector<1x16xf32>,
        %get3A_484 = vector.shape_cast %get3A_483 : vector<1x16xf32> to vector<16xf32>
        %get3A_485 = arith.constant 26 : i32
        %get3A_486 = arith.index_cast %get3A_485 : i32 to index
        %get3A_487 = arith.index_cast %mul3A_39 : i32 to index
        %get3A_488 = tpu.vector_load %arg7[%get3A_486, %get3A_487] {strides = array<i32>} : memref<77x512xf32, #tpu.memory_space<vmem>>, vector<1x16xf32>,
        %get3A_489 = vector.shape_cast %get3A_488 : vector<1x16xf32> to vector<16xf32>
        %add3A_490 = arith.addf %get3A_484, %get3A_489 : vector<16xf32>
        %swap3A_491 = arith.constant 26 : i32
        %swap3A_492 = arith.index_cast %swap3A_491 : i32 to index
        %swap3A_493 = arith.index_cast %mul3A_39 : i32 to index
        %swap3A_494 = tpu.vector_load %arg9[%swap3A_492, %swap3A_493] {strides = array<i32>} : memref<77x512xf32, #tpu.memory_space<vmem>>, vector<1x16xf32>,
        %swap3A_495 = vector.shape_cast %swap3A_494 : vector<1x16xf32> to vector<16xf32>
        %swap3A_496 = vector.shape_cast %add3A_490 : vector<16xf32> to vector<1x16xf32>
        tpu.vector_store %arg9[%swap3A_492, %swap3A_493], %swap3A_496 {strides = array<i32>} : memref<77x512xf32, #tpu.memory_space<vmem>>, vector<1x16xf32>,
        %get3A_497 = arith.constant 27 : i32
        %get3A_498 = arith.index_cast %get3A_497 : i32 to index
        %get3A_499 = arith.index_cast %mul3A_39 : i32 to index
        %get3A_500 = tpu.vector_load %arg8[%get3A_498, %get3A_499] {strides = array<i32>} : memref<80x512xf32, #tpu.memory_space<vmem>>, vector<1x16xf32>,
        %get3A_501 = vector.shape_cast %get3A_500 : vector<1x16xf32> to vector<16xf32>
        %get3A_502 = arith.constant 27 : i32
        %get3A_503 = arith.index_cast %get3A_502 : i32 to index
        %get3A_504 = arith.index_cast %mul3A_39 : i32 to index
        %get3A_505 = tpu.vector_load %arg7[%get3A_503, %get3A_504] {strides = array<i32>} : memref<77x512xf32, #tpu.memory_space<vmem>>, vector<1x16xf32>,
        %get3A_506 = vector.shape_cast %get3A_505 : vector<1x16xf32> to vector<16xf32>
        %add3A_507 = arith.addf %get3A_501, %get3A_506 : vector<16xf32>
        %swap3A_508 = arith.constant 27 : i32
        %swap3A_509 = arith.index_cast %swap3A_508 : i32 to index
        %swap3A_510 = arith.index_cast %mul3A_39 : i32 to index
        %swap3A_511 = tpu.vector_load %arg9[%swap3A_509, %swap3A_510] {strides = array<i32>} : memref<77x512xf32, #tpu.memory_space<vmem>>, vector<1x16xf32>,
        %swap3A_512 = vector.shape_cast %swap3A_511 : vector<1x16xf32> to vector<16xf32>
        %swap3A_513 = vector.shape_cast %add3A_507 : vector<16xf32> to vector<1x16xf32>
        tpu.vector_store %arg9[%swap3A_509, %swap3A_510], %swap3A_513 {strides = array<i32>} : memref<77x512xf32, #tpu.memory_space<vmem>>, vector<1x16xf32>,
        %get3A_514 = arith.constant 28 : i32
        %get3A_515 = arith.index_cast %get3A_514 : i32 to index
        %get3A_516 = arith.index_cast %mul3A_39 : i32 to index
        %get3A_517 = tpu.vector_load %arg8[%get3A_515, %get3A_516] {strides = array<i32>} : memref<80x512xf32, #tpu.memory_space<vmem>>, vector<1x16xf32>,
        %get3A_518 = vector.shape_cast %get3A_517 : vector<1x16xf32> to vector<16xf32>
        %get3A_519 = arith.constant 28 : i32
        %get3A_520 = arith.index_cast %get3A_519 : i32 to index
        %get3A_521 = arith.index_cast %mul3A_39 : i32 to index
        %get3A_522 = tpu.vector_load %arg7[%get3A_520, %get3A_521] {strides = array<i32>} : memref<77x512xf32, #tpu.memory_space<vmem>>, vector<1x16xf32>,
        %get3A_523 = vector.shape_cast %get3A_522 : vector<1x16xf32> to vector<16xf32>
        %add3A_524 = arith.addf %get3A_518, %get3A_523 : vector<16xf32>
        %swap3A_525 = arith.constant 28 : i32
        %swap3A_526 = arith.index_cast %swap3A_525 : i32 to index
        %swap3A_527 = arith.index_cast %mul3A_39 : i32 to index
        %swap3A_528 = tpu.vector_load %arg9[%swap3A_526, %swap3A_527] {strides = array<i32>} : memref<77x512xf32, #tpu.memory_space<vmem>>, vector<1x16xf32>,
        %swap3A_529 = vector.shape_cast %swap3A_528 : vector<1x16xf32> to vector<16xf32>
        %swap3A_530 = vector.shape_cast %add3A_524 : vector<16xf32> to vector<1x16xf32>
        tpu.vector_store %arg9[%swap3A_526, %swap3A_527], %swap3A_530 {strides = array<i32>} : memref<77x512xf32, #tpu.memory_space<vmem>>, vector<1x16xf32>,
        %get3A_531 = arith.constant 29 : i32
        %get3A_532 = arith.index_cast %get3A_531 : i32 to index
        %get3A_533 = arith.index_cast %mul3A_39 : i32 to index
        %get3A_534 = tpu.vector_load %arg8[%get3A_532, %get3A_533] {strides = array<i32>} : memref<80x512xf32, #tpu.memory_space<vmem>>, vector<1x16xf32>,
        %get3A_535 = vector.shape_cast %get3A_534 : vector<1x16xf32> to vector<16xf32>
        %get3A_536 = arith.constant 29 : i32
        %get3A_537 = arith.index_cast %get3A_536 : i32 to index
        %get3A_538 = arith.index_cast %mul3A_39 : i32 to index
        %get3A_539 = tpu.vector_load %arg7[%get3A_537, %get3A_538] {strides = array<i32>} : memref<77x512xf32, #tpu.memory_space<vmem>>, vector<1x16xf32>,
        %get3A_540 = vector.shape_cast %get3A_539 : vector<1x16xf32> to vector<16xf32>
        %add3A_541 = arith.addf %get3A_535, %get3A_540 : vector<16xf32>
        %swap3A_542 = arith.constant 29 : i32
        %swap3A_543 = arith.index_cast %swap3A_542 : i32 to index
        %swap3A_544 = arith.index_cast %mul3A_39 : i32 to index
        %swap3A_545 = tpu.vector_load %arg9[%swap3A_543, %swap3A_544] {strides = array<i32>} : memref<77x512xf32, #tpu.memory_space<vmem>>, vector<1x16xf32>,
        %swap3A_546 = vector.shape_cast %swap3A_545 : vector<1x16xf32> to vector<16xf32>
        %swap3A_547 = vector.shape_cast %add3A_541 : vector<16xf32> to vector<1x16xf32>
        tpu.vector_store %arg9[%swap3A_543, %swap3A_544], %swap3A_547 {strides = array<i32>} : memref<77x512xf32, #tpu.memory_space<vmem>>, vector<1x16xf32>,
        %get3A_548 = arith.constant 30 : i32
        %get3A_549 = arith.index_cast %get3A_548 : i32 to index
        %get3A_550 = arith.index_cast %mul3A_39 : i32 to index
        %get3A_551 = tpu.vector_load %arg8[%get3A_549, %get3A_550] {strides = array<i32>} : memref<80x512xf32, #tpu.memory_space<vmem>>, vector<1x16xf32>,
        %get3A_552 = vector.shape_cast %get3A_551 : vector<1x16xf32> to vector<16xf32>
        %get3A_553 = arith.constant 30 : i32
        %get3A_554 = arith.index_cast %get3A_553 : i32 to index
        %get3A_555 = arith.index_cast %mul3A_39 : i32 to index
        %get3A_556 = tpu.vector_load %arg7[%get3A_554, %get3A_555] {strides = array<i32>} : memref<77x512xf32, #tpu.memory_space<vmem>>, vector<1x16xf32>,
        %get3A_557 = vector.shape_cast %get3A_556 : vector<1x16xf32> to vector<16xf32>
        %add3A_558 = arith.addf %get3A_552, %get3A_557 : vector<16xf32>
        %swap3A_559 = arith.constant 30 : i32
        %swap3A_560 = arith.index_cast %swap3A_559 : i32 to index
        %swap3A_561 = arith.index_cast %mul3A_39 : i32 to index
        %swap3A_562 = tpu.vector_load %arg9[%swap3A_560, %swap3A_561] {strides = array<i32>} : memref<77x512xf32, #tpu.memory_space<vmem>>, vector<1x16xf32>,
        %swap3A_563 = vector.shape_cast %swap3A_562 : vector<1x16xf32> to vector<16xf32>
        %swap3A_564 = vector.shape_cast %add3A_558 : vector<16xf32> to vector<1x16xf32>
        tpu.vector_store %arg9[%swap3A_560, %swap3A_561], %swap3A_564 {strides = array<i32>} : memref<77x512xf32, #tpu.memory_space<vmem>>, vector<1x16xf32>,
        %get3A_565 = arith.constant 31 : i32
        %get3A_566 = arith.index_cast %get3A_565 : i32 to index
        %get3A_567 = arith.index_cast %mul3A_39 : i32 to index
        %get3A_568 = tpu.vector_load %arg8[%get3A_566, %get3A_567] {strides = array<i32>} : memref<80x512xf32, #tpu.memory_space<vmem>>, vector<1x16xf32>,
        %get3A_569 = vector.shape_cast %get3A_568 : vector<1x16xf32> to vector<16xf32>
        %get3A_570 = arith.constant 31 : i32
        %get3A_571 = arith.index_cast %get3A_570 : i32 to index
        %get3A_572 = arith.index_cast %mul3A_39 : i32 to index
        %get3A_573 = tpu.vector_load %arg7[%get3A_571, %get3A_572] {strides = array<i32>} : memref<77x512xf32, #tpu.memory_space<vmem>>, vector<1x16xf32>,
        %get3A_574 = vector.shape_cast %get3A_573 : vector<1x16xf32> to vector<16xf32>
        %add3A_575 = arith.addf %get3A_569, %get3A_574 : vector<16xf32>
        %swap3A_576 = arith.constant 31 : i32
        %swap3A_577 = arith.index_cast %swap3A_576 : i32 to index
        %swap3A_578 = arith.index_cast %mul3A_39 : i32 to index
        %swap3A_579 = tpu.vector_load %arg9[%swap3A_577, %swap3A_578] {strides = array<i32>} : memref<77x512xf32, #tpu.memory_space<vmem>>, vector<1x16xf32>,
        %swap3A_580 = vector.shape_cast %swap3A_579 : vector<1x16xf32> to vector<16xf32>
        %swap3A_581 = vector.shape_cast %add3A_575 : vector<16xf32> to vector<1x16xf32>
        tpu.vector_store %arg9[%swap3A_577, %swap3A_578], %swap3A_581 {strides = array<i32>} : memref<77x512xf32, #tpu.memory_space<vmem>>, vector<1x16xf32>,
        %get3A_582 = arith.constant 32 : i32
        %get3A_583 = arith.index_cast %get3A_582 : i32 to index
        %get3A_584 = arith.index_cast %mul3A_39 : i32 to index
        %get3A_585 = tpu.vector_load %arg8[%get3A_583, %get3A_584] {strides = array<i32>} : memref<80x512xf32, #tpu.memory_space<vmem>>, vector<1x16xf32>,
        %get3A_586 = vector.shape_cast %get3A_585 : vector<1x16xf32> to vector<16xf32>
        %get3A_587 = arith.constant 32 : i32
        %get3A_588 = arith.index_cast %get3A_587 : i32 to index
        %get3A_589 = arith.index_cast %mul3A_39 : i32 to index
        %get3A_590 = tpu.vector_load %arg7[%get3A_588, %get3A_589] {strides = array<i32>} : memref<77x512xf32, #tpu.memory_space<vmem>>, vector<1x16xf32>,
        %get3A_591 = vector.shape_cast %get3A_590 : vector<1x16xf32> to vector<16xf32>
        %add3A_592 = arith.addf %get3A_586, %get3A_591 : vector<16xf32>
        %swap3A_593 = arith.constant 32 : i32
        %swap3A_594 = arith.index_cast %swap3A_593 : i32 to index
        %swap3A_595 = arith.index_cast %mul3A_39 : i32 to index
        %swap3A_596 = tpu.vector_load %arg9[%swap3A_594, %swap3A_595] {strides = array<i32>} : memref<77x512xf32, #tpu.memory_space<vmem>>, vector<1x16xf32>,
        %swap3A_597 = vector.shape_cast %swap3A_596 : vector<1x16xf32> to vector<16xf32>
        %swap3A_598 = vector.shape_cast %add3A_592 : vector<16xf32> to vector<1x16xf32>
        tpu.vector_store %arg9[%swap3A_594, %swap3A_595], %swap3A_598 {strides = array<i32>} : memref<77x512xf32, #tpu.memory_space<vmem>>, vector<1x16xf32>,
        %get3A_599 = arith.constant 33 : i32
        %get3A_600 = arith.index_cast %get3A_599 : i32 to index
        %get3A_601 = arith.index_cast %mul3A_39 : i32 to index
        %get3A_602 = tpu.vector_load %arg8[%get3A_600, %get3A_601] {strides = array<i32>} : memref<80x512xf32, #tpu.memory_space<vmem>>, vector<1x16xf32>,
        %get3A_603 = vector.shape_cast %get3A_602 : vector<1x16xf32> to vector<16xf32>
        %get3A_604 = arith.constant 33 : i32
        %get3A_605 = arith.index_cast %get3A_604 : i32 to index
        %get3A_606 = arith.index_cast %mul3A_39 : i32 to index
        %get3A_607 = tpu.vector_load %arg7[%get3A_605, %get3A_606] {strides = array<i32>} : memref<77x512xf32, #tpu.memory_space<vmem>>, vector<1x16xf32>,
        %get3A_608 = vector.shape_cast %get3A_607 : vector<1x16xf32> to vector<16xf32>
        %add3A_609 = arith.addf %get3A_603, %get3A_608 : vector<16xf32>
        %swap3A_610 = arith.constant 33 : i32
        %swap3A_611 = arith.index_cast %swap3A_610 : i32 to index
        %swap3A_612 = arith.index_cast %mul3A_39 : i32 to index
        %swap3A_613 = tpu.vector_load %arg9[%swap3A_611, %swap3A_612] {strides = array<i32>} : memref<77x512xf32, #tpu.memory_space<vmem>>, vector<1x16xf32>,
        %swap3A_614 = vector.shape_cast %swap3A_613 : vector<1x16xf32> to vector<16xf32>
        %swap3A_615 = vector.shape_cast %add3A_609 : vector<16xf32> to vector<1x16xf32>
        tpu.vector_store %arg9[%swap3A_611, %swap3A_612], %swap3A_615 {strides = array<i32>} : memref<77x512xf32, #tpu.memory_space<vmem>>, vector<1x16xf32>,
        %get3A_616 = arith.constant 34 : i32
        %get3A_617 = arith.index_cast %get3A_616 : i32 to index
        %get3A_618 = arith.index_cast %mul3A_39 : i32 to index
        %get3A_619 = tpu.vector_load %arg8[%get3A_617, %get3A_618] {strides = array<i32>} : memref<80x512xf32, #tpu.memory_space<vmem>>, vector<1x16xf32>,
        %get3A_620 = vector.shape_cast %get3A_619 : vector<1x16xf32> to vector<16xf32>
        %get3A_621 = arith.constant 34 : i32
        %get3A_622 = arith.index_cast %get3A_621 : i32 to index
        %get3A_623 = arith.index_cast %mul3A_39 : i32 to index
        %get3A_624 = tpu.vector_load %arg7[%get3A_622, %get3A_623] {strides = array<i32>} : memref<77x512xf32, #tpu.memory_space<vmem>>, vector<1x16xf32>,
        %get3A_625 = vector.shape_cast %get3A_624 : vector<1x16xf32> to vector<16xf32>
        %add3A_626 = arith.addf %get3A_620, %get3A_625 : vector<16xf32>
        %swap3A_627 = arith.constant 34 : i32
        %swap3A_628 = arith.index_cast %swap3A_627 : i32 to index
        %swap3A_629 = arith.index_cast %mul3A_39 : i32 to index
        %swap3A_630 = tpu.vector_load %arg9[%swap3A_628, %swap3A_629] {strides = array<i32>} : memref<77x512xf32, #tpu.memory_space<vmem>>, vector<1x16xf32>,
        %swap3A_631 = vector.shape_cast %swap3A_630 : vector<1x16xf32> to vector<16xf32>
        %swap3A_632 = vector.shape_cast %add3A_626 : vector<16xf32> to vector<1x16xf32>
        tpu.vector_store %arg9[%swap3A_628, %swap3A_629], %swap3A_632 {strides = array<i32>} : memref<77x512xf32, #tpu.memory_space<vmem>>, vector<1x16xf32>,
        %get3A_633 = arith.constant 35 : i32
        %get3A_634 = arith.index_cast %get3A_633 : i32 to index
        %get3A_635 = arith.index_cast %mul3A_39 : i32 to index
        %get3A_636 = tpu.vector_load %arg8[%get3A_634, %get3A_635] {strides = array<i32>} : memref<80x512xf32, #tpu.memory_space<vmem>>, vector<1x16xf32>,
        %get3A_637 = vector.shape_cast %get3A_636 : vector<1x16xf32> to vector<16xf32>
        %get3A_638 = arith.constant 35 : i32
        %get3A_639 = arith.index_cast %get3A_638 : i32 to index
        %get3A_640 = arith.index_cast %mul3A_39 : i32 to index
        %get3A_641 = tpu.vector_load %arg7[%get3A_639, %get3A_640] {strides = array<i32>} : memref<77x512xf32, #tpu.memory_space<vmem>>, vector<1x16xf32>,
        %get3A_642 = vector.shape_cast %get3A_641 : vector<1x16xf32> to vector<16xf32>
        %add3A_643 = arith.addf %get3A_637, %get3A_642 : vector<16xf32>
        %swap3A_644 = arith.constant 35 : i32
        %swap3A_645 = arith.index_cast %swap3A_644 : i32 to index
        %swap3A_646 = arith.index_cast %mul3A_39 : i32 to index
        %swap3A_647 = tpu.vector_load %arg9[%swap3A_645, %swap3A_646] {strides = array<i32>} : memref<77x512xf32, #tpu.memory_space<vmem>>, vector<1x16xf32>,
        %swap3A_648 = vector.shape_cast %swap3A_647 : vector<1x16xf32> to vector<16xf32>
        %swap3A_649 = vector.shape_cast %add3A_643 : vector<16xf32> to vector<1x16xf32>
        tpu.vector_store %arg9[%swap3A_645, %swap3A_646], %swap3A_649 {strides = array<i32>} : memref<77x512xf32, #tpu.memory_space<vmem>>, vector<1x16xf32>,
        %get3A_650 = arith.constant 36 : i32
        %get3A_651 = arith.index_cast %get3A_650 : i32 to index
        %get3A_652 = arith.index_cast %mul3A_39 : i32 to index
        %get3A_653 = tpu.vector_load %arg8[%get3A_651, %get3A_652] {strides = array<i32>} : memref<80x512xf32, #tpu.memory_space<vmem>>, vector<1x16xf32>,
        %get3A_654 = vector.shape_cast %get3A_653 : vector<1x16xf32> to vector<16xf32>
        %get3A_655 = arith.constant 36 : i32
        %get3A_656 = arith.index_cast %get3A_655 : i32 to index
        %get3A_657 = arith.index_cast %mul3A_39 : i32 to index
        %get3A_658 = tpu.vector_load %arg7[%get3A_656, %get3A_657] {strides = array<i32>} : memref<77x512xf32, #tpu.memory_space<vmem>>, vector<1x16xf32>,
        %get3A_659 = vector.shape_cast %get3A_658 : vector<1x16xf32> to vector<16xf32>
        %add3A_660 = arith.addf %get3A_654, %get3A_659 : vector<16xf32>
        %swap3A_661 = arith.constant 36 : i32
        %swap3A_662 = arith.index_cast %swap3A_661 : i32 to index
        %swap3A_663 = arith.index_cast %mul3A_39 : i32 to index
        %swap3A_664 = tpu.vector_load %arg9[%swap3A_662, %swap3A_663] {strides = array<i32>} : memref<77x512xf32, #tpu.memory_space<vmem>>, vector<1x16xf32>,
        %swap3A_665 = vector.shape_cast %swap3A_664 : vector<1x16xf32> to vector<16xf32>
        %swap3A_666 = vector.shape_cast %add3A_660 : vector<16xf32> to vector<1x16xf32>
        tpu.vector_store %arg9[%swap3A_662, %swap3A_663], %swap3A_666 {strides = array<i32>} : memref<77x512xf32, #tpu.memory_space<vmem>>, vector<1x16xf32>,
        %get3A_667 = arith.constant 37 : i32
        %get3A_668 = arith.index_cast %get3A_667 : i32 to index
        %get3A_669 = arith.index_cast %mul3A_39 : i32 to index
        %get3A_670 = tpu.vector_load %arg8[%get3A_668, %get3A_669] {strides = array<i32>} : memref<80x512xf32, #tpu.memory_space<vmem>>, vector<1x16xf32>,
        %get3A_671 = vector.shape_cast %get3A_670 : vector<1x16xf32> to vector<16xf32>
        %get3A_672 = arith.constant 37 : i32
        %get3A_673 = arith.index_cast %get3A_672 : i32 to index
        %get3A_674 = arith.index_cast %mul3A_39 : i32 to index
        %get3A_675 = tpu.vector_load %arg7[%get3A_673, %get3A_674] {strides = array<i32>} : memref<77x512xf32, #tpu.memory_space<vmem>>, vector<1x16xf32>,
        %get3A_676 = vector.shape_cast %get3A_675 : vector<1x16xf32> to vector<16xf32>
        %add3A_677 = arith.addf %get3A_671, %get3A_676 : vector<16xf32>
        %swap3A_678 = arith.constant 37 : i32
        %swap3A_679 = arith.index_cast %swap3A_678 : i32 to index
        %swap3A_680 = arith.index_cast %mul3A_39 : i32 to index
        %swap3A_681 = tpu.vector_load %arg9[%swap3A_679, %swap3A_680] {strides = array<i32>} : memref<77x512xf32, #tpu.memory_space<vmem>>, vector<1x16xf32>,
        %swap3A_682 = vector.shape_cast %swap3A_681 : vector<1x16xf32> to vector<16xf32>
        %swap3A_683 = vector.shape_cast %add3A_677 : vector<16xf32> to vector<1x16xf32>
        tpu.vector_store %arg9[%swap3A_679, %swap3A_680], %swap3A_683 {strides = array<i32>} : memref<77x512xf32, #tpu.memory_space<vmem>>, vector<1x16xf32>,
        %get3A_684 = arith.constant 38 : i32
        %get3A_685 = arith.index_cast %get3A_684 : i32 to index
        %get3A_686 = arith.index_cast %mul3A_39 : i32 to index
        %get3A_687 = tpu.vector_load %arg8[%get3A_685, %get3A_686] {strides = array<i32>} : memref<80x512xf32, #tpu.memory_space<vmem>>, vector<1x16xf32>,
        %get3A_688 = vector.shape_cast %get3A_687 : vector<1x16xf32> to vector<16xf32>
        %get3A_689 = arith.constant 38 : i32
        %get3A_690 = arith.index_cast %get3A_689 : i32 to index
        %get3A_691 = arith.index_cast %mul3A_39 : i32 to index
        %get3A_692 = tpu.vector_load %arg7[%get3A_690, %get3A_691] {strides = array<i32>} : memref<77x512xf32, #tpu.memory_space<vmem>>, vector<1x16xf32>,
        %get3A_693 = vector.shape_cast %get3A_692 : vector<1x16xf32> to vector<16xf32>
        %add3A_694 = arith.addf %get3A_688, %get3A_693 : vector<16xf32>
        %swap3A_695 = arith.constant 38 : i32
        %swap3A_696 = arith.index_cast %swap3A_695 : i32 to index
        %swap3A_697 = arith.index_cast %mul3A_39 : i32 to index
        %swap3A_698 = tpu.vector_load %arg9[%swap3A_696, %swap3A_697] {strides = array<i32>} : memref<77x512xf32, #tpu.memory_space<vmem>>, vector<1x16xf32>,
        %swap3A_699 = vector.shape_cast %swap3A_698 : vector<1x16xf32> to vector<16xf32>
        %swap3A_700 = vector.shape_cast %add3A_694 : vector<16xf32> to vector<1x16xf32>
        tpu.vector_store %arg9[%swap3A_696, %swap3A_697], %swap3A_700 {strides = array<i32>} : memref<77x512xf32, #tpu.memory_space<vmem>>, vector<1x16xf32>,
        %get3A_701 = arith.constant 39 : i32
        %get3A_702 = arith.index_cast %get3A_701 : i32 to index
        %get3A_703 = arith.index_cast %mul3A_39 : i32 to index
        %get3A_704 = tpu.vector_load %arg8[%get3A_702, %get3A_703] {strides = array<i32>} : memref<80x512xf32, #tpu.memory_space<vmem>>, vector<1x16xf32>,
        %get3A_705 = vector.shape_cast %get3A_704 : vector<1x16xf32> to vector<16xf32>
        %get3A_706 = arith.constant 39 : i32
        %get3A_707 = arith.index_cast %get3A_706 : i32 to index
        %get3A_708 = arith.index_cast %mul3A_39 : i32 to index
        %get3A_709 = tpu.vector_load %arg7[%get3A_707, %get3A_708] {strides = array<i32>} : memref<77x512xf32, #tpu.memory_space<vmem>>, vector<1x16xf32>,
        %get3A_710 = vector.shape_cast %get3A_709 : vector<1x16xf32> to vector<16xf32>
        %add3A_711 = arith.addf %get3A_705, %get3A_710 : vector<16xf32>
        %swap3A_712 = arith.constant 39 : i32
        %swap3A_713 = arith.index_cast %swap3A_712 : i32 to index
        %swap3A_714 = arith.index_cast %mul3A_39 : i32 to index
        %swap3A_715 = tpu.vector_load %arg9[%swap3A_713, %swap3A_714] {strides = array<i32>} : memref<77x512xf32, #tpu.memory_space<vmem>>, vector<1x16xf32>,
        %swap3A_716 = vector.shape_cast %swap3A_715 : vector<1x16xf32> to vector<16xf32>
        %swap3A_717 = vector.shape_cast %add3A_711 : vector<16xf32> to vector<1x16xf32>
        tpu.vector_store %arg9[%swap3A_713, %swap3A_714], %swap3A_717 {strides = array<i32>} : memref<77x512xf32, #tpu.memory_space<vmem>>, vector<1x16xf32>,
        %get3A_718 = arith.constant 40 : i32
        %get3A_719 = arith.index_cast %get3A_718 : i32 to index
        %get3A_720 = arith.index_cast %mul3A_39 : i32 to index
        %get3A_721 = tpu.vector_load %arg8[%get3A_719, %get3A_720] {strides = array<i32>} : memref<80x512xf32, #tpu.memory_space<vmem>>, vector<1x16xf32>,
        %get3A_722 = vector.shape_cast %get3A_721 : vector<1x16xf32> to vector<16xf32>
        %get3A_723 = arith.constant 40 : i32
        %get3A_724 = arith.index_cast %get3A_723 : i32 to index
        %get3A_725 = arith.index_cast %mul3A_39 : i32 to index
        %get3A_726 = tpu.vector_load %arg7[%get3A_724, %get3A_725] {strides = array<i32>} : memref<77x512xf32, #tpu.memory_space<vmem>>, vector<1x16xf32>,
        %get3A_727 = vector.shape_cast %get3A_726 : vector<1x16xf32> to vector<16xf32>
        %add3A_728 = arith.addf %get3A_722, %get3A_727 : vector<16xf32>
        %swap3A_729 = arith.constant 40 : i32
        %swap3A_730 = arith.index_cast %swap3A_729 : i32 to index
        %swap3A_731 = arith.index_cast %mul3A_39 : i32 to index
        %swap3A_732 = tpu.vector_load %arg9[%swap3A_730, %swap3A_731] {strides = array<i32>} : memref<77x512xf32, #tpu.memory_space<vmem>>, vector<1x16xf32>,
        %swap3A_733 = vector.shape_cast %swap3A_732 : vector<1x16xf32> to vector<16xf32>
        %swap3A_734 = vector.shape_cast %add3A_728 : vector<16xf32> to vector<1x16xf32>
        tpu.vector_store %arg9[%swap3A_730, %swap3A_731], %swap3A_734 {strides = array<i32>} : memref<77x512xf32, #tpu.memory_space<vmem>>, vector<1x16xf32>,
        %get3A_735 = arith.constant 41 : i32
        %get3A_736 = arith.index_cast %get3A_735 : i32 to index
        %get3A_737 = arith.index_cast %mul3A_39 : i32 to index
        %get3A_738 = tpu.vector_load %arg8[%get3A_736, %get3A_737] {strides = array<i32>} : memref<80x512xf32, #tpu.memory_space<vmem>>, vector<1x16xf32>,
        %get3A_739 = vector.shape_cast %get3A_738 : vector<1x16xf32> to vector<16xf32>
        %get3A_740 = arith.constant 41 : i32
        %get3A_741 = arith.index_cast %get3A_740 : i32 to index
        %get3A_742 = arith.index_cast %mul3A_39 : i32 to index
        %get3A_743 = tpu.vector_load %arg7[%get3A_741, %get3A_742] {strides = array<i32>} : memref<77x512xf32, #tpu.memory_space<vmem>>, vector<1x16xf32>,
        %get3A_744 = vector.shape_cast %get3A_743 : vector<1x16xf32> to vector<16xf32>
        %add3A_745 = arith.addf %get3A_739, %get3A_744 : vector<16xf32>
        %swap3A_746 = arith.constant 41 : i32
        %swap3A_747 = arith.index_cast %swap3A_746 : i32 to index
        %swap3A_748 = arith.index_cast %mul3A_39 : i32 to index
        %swap3A_749 = tpu.vector_load %arg9[%swap3A_747, %swap3A_748] {strides = array<i32>} : memref<77x512xf32, #tpu.memory_space<vmem>>, vector<1x16xf32>,
        %swap3A_750 = vector.shape_cast %swap3A_749 : vector<1x16xf32> to vector<16xf32>
        %swap3A_751 = vector.shape_cast %add3A_745 : vector<16xf32> to vector<1x16xf32>
        tpu.vector_store %arg9[%swap3A_747, %swap3A_748], %swap3A_751 {strides = array<i32>} : memref<77x512xf32, #tpu.memory_space<vmem>>, vector<1x16xf32>,
        %get3A_752 = arith.constant 42 : i32
        %get3A_753 = arith.index_cast %get3A_752 : i32 to index
        %get3A_754 = arith.index_cast %mul3A_39 : i32 to index
        %get3A_755 = tpu.vector_load %arg8[%get3A_753, %get3A_754] {strides = array<i32>} : memref<80x512xf32, #tpu.memory_space<vmem>>, vector<1x16xf32>,
        %get3A_756 = vector.shape_cast %get3A_755 : vector<1x16xf32> to vector<16xf32>
        %get3A_757 = arith.constant 42 : i32
        %get3A_758 = arith.index_cast %get3A_757 : i32 to index
        %get3A_759 = arith.index_cast %mul3A_39 : i32 to index
        %get3A_760 = tpu.vector_load %arg7[%get3A_758, %get3A_759] {strides = array<i32>} : memref<77x512xf32, #tpu.memory_space<vmem>>, vector<1x16xf32>,
        %get3A_761 = vector.shape_cast %get3A_760 : vector<1x16xf32> to vector<16xf32>
        %add3A_762 = arith.addf %get3A_756, %get3A_761 : vector<16xf32>
        %swap3A_763 = arith.constant 42 : i32
        %swap3A_764 = arith.index_cast %swap3A_763 : i32 to index
        %swap3A_765 = arith.index_cast %mul3A_39 : i32 to index
        %swap3A_766 = tpu.vector_load %arg9[%swap3A_764, %swap3A_765] {strides = array<i32>} : memref<77x512xf32, #tpu.memory_space<vmem>>, vector<1x16xf32>,
        %swap3A_767 = vector.shape_cast %swap3A_766 : vector<1x16xf32> to vector<16xf32>
        %swap3A_768 = vector.shape_cast %add3A_762 : vector<16xf32> to vector<1x16xf32>
        tpu.vector_store %arg9[%swap3A_764, %swap3A_765], %swap3A_768 {strides = array<i32>} : memref<77x512xf32, #tpu.memory_space<vmem>>, vector<1x16xf32>,
        %get3A_769 = arith.constant 43 : i32
        %get3A_770 = arith.index_cast %get3A_769 : i32 to index
        %get3A_771 = arith.index_cast %mul3A_39 : i32 to index
        %get3A_772 = tpu.vector_load %arg8[%get3A_770, %get3A_771] {strides = array<i32>} : memref<80x512xf32, #tpu.memory_space<vmem>>, vector<1x16xf32>,
        %get3A_773 = vector.shape_cast %get3A_772 : vector<1x16xf32> to vector<16xf32>
        %get3A_774 = arith.constant 43 : i32
        %get3A_775 = arith.index_cast %get3A_774 : i32 to index
        %get3A_776 = arith.index_cast %mul3A_39 : i32 to index
        %get3A_777 = tpu.vector_load %arg7[%get3A_775, %get3A_776] {strides = array<i32>} : memref<77x512xf32, #tpu.memory_space<vmem>>, vector<1x16xf32>,
        %get3A_778 = vector.shape_cast %get3A_777 : vector<1x16xf32> to vector<16xf32>
        %add3A_779 = arith.addf %get3A_773, %get3A_778 : vector<16xf32>
        %swap3A_780 = arith.constant 43 : i32
        %swap3A_781 = arith.index_cast %swap3A_780 : i32 to index
        %swap3A_782 = arith.index_cast %mul3A_39 : i32 to index
        %swap3A_783 = tpu.vector_load %arg9[%swap3A_781, %swap3A_782] {strides = array<i32>} : memref<77x512xf32, #tpu.memory_space<vmem>>, vector<1x16xf32>,
        %swap3A_784 = vector.shape_cast %swap3A_783 : vector<1x16xf32> to vector<16xf32>
        %swap3A_785 = vector.shape_cast %add3A_779 : vector<16xf32> to vector<1x16xf32>
        tpu.vector_store %arg9[%swap3A_781, %swap3A_782], %swap3A_785 {strides = array<i32>} : memref<77x512xf32, #tpu.memory_space<vmem>>, vector<1x16xf32>,
        %get3A_786 = arith.constant 44 : i32
        %get3A_787 = arith.index_cast %get3A_786 : i32 to index
        %get3A_788 = arith.index_cast %mul3A_39 : i32 to index
        %get3A_789 = tpu.vector_load %arg8[%get3A_787, %get3A_788] {strides = array<i32>} : memref<80x512xf32, #tpu.memory_space<vmem>>, vector<1x16xf32>,
        %get3A_790 = vector.shape_cast %get3A_789 : vector<1x16xf32> to vector<16xf32>
        %get3A_791 = arith.constant 44 : i32
        %get3A_792 = arith.index_cast %get3A_791 : i32 to index
        %get3A_793 = arith.index_cast %mul3A_39 : i32 to index
        %get3A_794 = tpu.vector_load %arg7[%get3A_792, %get3A_793] {strides = array<i32>} : memref<77x512xf32, #tpu.memory_space<vmem>>, vector<1x16xf32>,
        %get3A_795 = vector.shape_cast %get3A_794 : vector<1x16xf32> to vector<16xf32>
        %add3A_796 = arith.addf %get3A_790, %get3A_795 : vector<16xf32>
        %swap3A_797 = arith.constant 44 : i32
        %swap3A_798 = arith.index_cast %swap3A_797 : i32 to index
        %swap3A_799 = arith.index_cast %mul3A_39 : i32 to index
        %swap3A_800 = tpu.vector_load %arg9[%swap3A_798, %swap3A_799] {strides = array<i32>} : memref<77x512xf32, #tpu.memory_space<vmem>>, vector<1x16xf32>,
        %swap3A_801 = vector.shape_cast %swap3A_800 : vector<1x16xf32> to vector<16xf32>
        %swap3A_802 = vector.shape_cast %add3A_796 : vector<16xf32> to vector<1x16xf32>
        tpu.vector_store %arg9[%swap3A_798, %swap3A_799], %swap3A_802 {strides = array<i32>} : memref<77x512xf32, #tpu.memory_space<vmem>>, vector<1x16xf32>,
        %get3A_803 = arith.constant 45 : i32
        %get3A_804 = arith.index_cast %get3A_803 : i32 to index
        %get3A_805 = arith.index_cast %mul3A_39 : i32 to index
        %get3A_806 = tpu.vector_load %arg8[%get3A_804, %get3A_805] {strides = array<i32>} : memref<80x512xf32, #tpu.memory_space<vmem>>, vector<1x16xf32>,
        %get3A_807 = vector.shape_cast %get3A_806 : vector<1x16xf32> to vector<16xf32>
        %get3A_808 = arith.constant 45 : i32
        %get3A_809 = arith.index_cast %get3A_808 : i32 to index
        %get3A_810 = arith.index_cast %mul3A_39 : i32 to index
        %get3A_811 = tpu.vector_load %arg7[%get3A_809, %get3A_810] {strides = array<i32>} : memref<77x512xf32, #tpu.memory_space<vmem>>, vector<1x16xf32>,
        %get3A_812 = vector.shape_cast %get3A_811 : vector<1x16xf32> to vector<16xf32>
        %add3A_813 = arith.addf %get3A_807, %get3A_812 : vector<16xf32>
        %swap3A_814 = arith.constant 45 : i32
        %swap3A_815 = arith.index_cast %swap3A_814 : i32 to index
        %swap3A_816 = arith.index_cast %mul3A_39 : i32 to index
        %swap3A_817 = tpu.vector_load %arg9[%swap3A_815, %swap3A_816] {strides = array<i32>} : memref<77x512xf32, #tpu.memory_space<vmem>>, vector<1x16xf32>,
        %swap3A_818 = vector.shape_cast %swap3A_817 : vector<1x16xf32> to vector<16xf32>
        %swap3A_819 = vector.shape_cast %add3A_813 : vector<16xf32> to vector<1x16xf32>
        tpu.vector_store %arg9[%swap3A_815, %swap3A_816], %swap3A_819 {strides = array<i32>} : memref<77x512xf32, #tpu.memory_space<vmem>>, vector<1x16xf32>,
        %get3A_820 = arith.constant 46 : i32
        %get3A_821 = arith.index_cast %get3A_820 : i32 to index
        %get3A_822 = arith.index_cast %mul3A_39 : i32 to index
        %get3A_823 = tpu.vector_load %arg8[%get3A_821, %get3A_822] {strides = array<i32>} : memref<80x512xf32, #tpu.memory_space<vmem>>, vector<1x16xf32>,
        %get3A_824 = vector.shape_cast %get3A_823 : vector<1x16xf32> to vector<16xf32>
        %get3A_825 = arith.constant 46 : i32
        %get3A_826 = arith.index_cast %get3A_825 : i32 to index
        %get3A_827 = arith.index_cast %mul3A_39 : i32 to index
        %get3A_828 = tpu.vector_load %arg7[%get3A_826, %get3A_827] {strides = array<i32>} : memref<77x512xf32, #tpu.memory_space<vmem>>, vector<1x16xf32>,
        %get3A_829 = vector.shape_cast %get3A_828 : vector<1x16xf32> to vector<16xf32>
        %add3A_830 = arith.addf %get3A_824, %get3A_829 : vector<16xf32>
        %swap3A_831 = arith.constant 46 : i32
        %swap3A_832 = arith.index_cast %swap3A_831 : i32 to index
        %swap3A_833 = arith.index_cast %mul3A_39 : i32 to index
        %swap3A_834 = tpu.vector_load %arg9[%swap3A_832, %swap3A_833] {strides = array<i32>} : memref<77x512xf32, #tpu.memory_space<vmem>>, vector<1x16xf32>,
        %swap3A_835 = vector.shape_cast %swap3A_834 : vector<1x16xf32> to vector<16xf32>
        %swap3A_836 = vector.shape_cast %add3A_830 : vector<16xf32> to vector<1x16xf32>
        tpu.vector_store %arg9[%swap3A_832, %swap3A_833], %swap3A_836 {strides = array<i32>} : memref<77x512xf32, #tpu.memory_space<vmem>>, vector<1x16xf32>,
        %get3A_837 = arith.constant 47 : i32
        %get3A_838 = arith.index_cast %get3A_837 : i32 to index
        %get3A_839 = arith.index_cast %mul3A_39 : i32 to index
        %get3A_840 = tpu.vector_load %arg8[%get3A_838, %get3A_839] {strides = array<i32>} : memref<80x512xf32, #tpu.memory_space<vmem>>, vector<1x16xf32>,
        %get3A_841 = vector.shape_cast %get3A_840 : vector<1x16xf32> to vector<16xf32>
        %get3A_842 = arith.constant 47 : i32
        %get3A_843 = arith.index_cast %get3A_842 : i32 to index
        %get3A_844 = arith.index_cast %mul3A_39 : i32 to index
        %get3A_845 = tpu.vector_load %arg7[%get3A_843, %get3A_844] {strides = array<i32>} : memref<77x512xf32, #tpu.memory_space<vmem>>, vector<1x16xf32>,
        %get3A_846 = vector.shape_cast %get3A_845 : vector<1x16xf32> to vector<16xf32>
        %add3A_847 = arith.addf %get3A_841, %get3A_846 : vector<16xf32>
        %swap3A_848 = arith.constant 47 : i32
        %swap3A_849 = arith.index_cast %swap3A_848 : i32 to index
        %swap3A_850 = arith.index_cast %mul3A_39 : i32 to index
        %swap3A_851 = tpu.vector_load %arg9[%swap3A_849, %swap3A_850] {strides = array<i32>} : memref<77x512xf32, #tpu.memory_space<vmem>>, vector<1x16xf32>,
        %swap3A_852 = vector.shape_cast %swap3A_851 : vector<1x16xf32> to vector<16xf32>
        %swap3A_853 = vector.shape_cast %add3A_847 : vector<16xf32> to vector<1x16xf32>
        tpu.vector_store %arg9[%swap3A_849, %swap3A_850], %swap3A_853 {strides = array<i32>} : memref<77x512xf32, #tpu.memory_space<vmem>>, vector<1x16xf32>,
        %get3A_854 = arith.constant 48 : i32
        %get3A_855 = arith.index_cast %get3A_854 : i32 to index
        %get3A_856 = arith.index_cast %mul3A_39 : i32 to index
        %get3A_857 = tpu.vector_load %arg8[%get3A_855, %get3A_856] {strides = array<i32>} : memref<80x512xf32, #tpu.memory_space<vmem>>, vector<1x16xf32>,
        %get3A_858 = vector.shape_cast %get3A_857 : vector<1x16xf32> to vector<16xf32>
        %get3A_859 = arith.constant 48 : i32
        %get3A_860 = arith.index_cast %get3A_859 : i32 to index
        %get3A_861 = arith.index_cast %mul3A_39 : i32 to index
        %get3A_862 = tpu.vector_load %arg7[%get3A_860, %get3A_861] {strides = array<i32>} : memref<77x512xf32, #tpu.memory_space<vmem>>, vector<1x16xf32>,
        %get3A_863 = vector.shape_cast %get3A_862 : vector<1x16xf32> to vector<16xf32>
        %add3A_864 = arith.addf %get3A_858, %get3A_863 : vector<16xf32>
        %swap3A_865 = arith.constant 48 : i32
        %swap3A_866 = arith.index_cast %swap3A_865 : i32 to index
        %swap3A_867 = arith.index_cast %mul3A_39 : i32 to index
        %swap3A_868 = tpu.vector_load %arg9[%swap3A_866, %swap3A_867] {strides = array<i32>} : memref<77x512xf32, #tpu.memory_space<vmem>>, vector<1x16xf32>,
        %swap3A_869 = vector.shape_cast %swap3A_868 : vector<1x16xf32> to vector<16xf32>
        %swap3A_870 = vector.shape_cast %add3A_864 : vector<16xf32> to vector<1x16xf32>
        tpu.vector_store %arg9[%swap3A_866, %swap3A_867], %swap3A_870 {strides = array<i32>} : memref<77x512xf32, #tpu.memory_space<vmem>>, vector<1x16xf32>,
        %get3A_871 = arith.constant 49 : i32
        %get3A_872 = arith.index_cast %get3A_871 : i32 to index
        %get3A_873 = arith.index_cast %mul3A_39 : i32 to index
        %get3A_874 = tpu.vector_load %arg8[%get3A_872, %get3A_873] {strides = array<i32>} : memref<80x512xf32, #tpu.memory_space<vmem>>, vector<1x16xf32>,
        %get3A_875 = vector.shape_cast %get3A_874 : vector<1x16xf32> to vector<16xf32>
        %get3A_876 = arith.constant 49 : i32
        %get3A_877 = arith.index_cast %get3A_876 : i32 to index
        %get3A_878 = arith.index_cast %mul3A_39 : i32 to index
        %get3A_879 = tpu.vector_load %arg7[%get3A_877, %get3A_878] {strides = array<i32>} : memref<77x512xf32, #tpu.memory_space<vmem>>, vector<1x16xf32>,
        %get3A_880 = vector.shape_cast %get3A_879 : vector<1x16xf32> to vector<16xf32>
        %add3A_881 = arith.addf %get3A_875, %get3A_880 : vector<16xf32>
        %swap3A_882 = arith.constant 49 : i32
        %swap3A_883 = arith.index_cast %swap3A_882 : i32 to index
        %swap3A_884 = arith.index_cast %mul3A_39 : i32 to index
        %swap3A_885 = tpu.vector_load %arg9[%swap3A_883, %swap3A_884] {strides = array<i32>} : memref<77x512xf32, #tpu.memory_space<vmem>>, vector<1x16xf32>,
        %swap3A_886 = vector.shape_cast %swap3A_885 : vector<1x16xf32> to vector<16xf32>
        %swap3A_887 = vector.shape_cast %add3A_881 : vector<16xf32> to vector<1x16xf32>
        tpu.vector_store %arg9[%swap3A_883, %swap3A_884], %swap3A_887 {strides = array<i32>} : memref<77x512xf32, #tpu.memory_space<vmem>>, vector<1x16xf32>,
        %get3A_888 = arith.constant 50 : i32
        %get3A_889 = arith.index_cast %get3A_888 : i32 to index
        %get3A_890 = arith.index_cast %mul3A_39 : i32 to index
        %get3A_891 = tpu.vector_load %arg8[%get3A_889, %get3A_890] {strides = array<i32>} : memref<80x512xf32, #tpu.memory_space<vmem>>, vector<1x16xf32>,
        %get3A_892 = vector.shape_cast %get3A_891 : vector<1x16xf32> to vector<16xf32>
        %get3A_893 = arith.constant 50 : i32
        %get3A_894 = arith.index_cast %get3A_893 : i32 to index
        %get3A_895 = arith.index_cast %mul3A_39 : i32 to index
        %get3A_896 = tpu.vector_load %arg7[%get3A_894, %get3A_895] {strides = array<i32>} : memref<77x512xf32, #tpu.memory_space<vmem>>, vector<1x16xf32>,
        %get3A_897 = vector.shape_cast %get3A_896 : vector<1x16xf32> to vector<16xf32>
        %add3A_898 = arith.addf %get3A_892, %get3A_897 : vector<16xf32>
        %swap3A_899 = arith.constant 50 : i32
        %swap3A_900 = arith.index_cast %swap3A_899 : i32 to index
        %swap3A_901 = arith.index_cast %mul3A_39 : i32 to index
        %swap3A_902 = tpu.vector_load %arg9[%swap3A_900, %swap3A_901] {strides = array<i32>} : memref<77x512xf32, #tpu.memory_space<vmem>>, vector<1x16xf32>,
        %swap3A_903 = vector.shape_cast %swap3A_902 : vector<1x16xf32> to vector<16xf32>
        %swap3A_904 = vector.shape_cast %add3A_898 : vector<16xf32> to vector<1x16xf32>
        tpu.vector_store %arg9[%swap3A_900, %swap3A_901], %swap3A_904 {strides = array<i32>} : memref<77x512xf32, #tpu.memory_space<vmem>>, vector<1x16xf32>,
        %get3A_905 = arith.constant 51 : i32
        %get3A_906 = arith.index_cast %get3A_905 : i32 to index
        %get3A_907 = arith.index_cast %mul3A_39 : i32 to index
        %get3A_908 = tpu.vector_load %arg8[%get3A_906, %get3A_907] {strides = array<i32>} : memref<80x512xf32, #tpu.memory_space<vmem>>, vector<1x16xf32>,
        %get3A_909 = vector.shape_cast %get3A_908 : vector<1x16xf32> to vector<16xf32>
        %get3A_910 = arith.constant 51 : i32
        %get3A_911 = arith.index_cast %get3A_910 : i32 to index
        %get3A_912 = arith.index_cast %mul3A_39 : i32 to index
        %get3A_913 = tpu.vector_load %arg7[%get3A_911, %get3A_912] {strides = array<i32>} : memref<77x512xf32, #tpu.memory_space<vmem>>, vector<1x16xf32>,
        %get3A_914 = vector.shape_cast %get3A_913 : vector<1x16xf32> to vector<16xf32>
        %add3A_915 = arith.addf %get3A_909, %get3A_914 : vector<16xf32>
        %swap3A_916 = arith.constant 51 : i32
        %swap3A_917 = arith.index_cast %swap3A_916 : i32 to index
        %swap3A_918 = arith.index_cast %mul3A_39 : i32 to index
        %swap3A_919 = tpu.vector_load %arg9[%swap3A_917, %swap3A_918] {strides = array<i32>} : memref<77x512xf32, #tpu.memory_space<vmem>>, vector<1x16xf32>,
        %swap3A_920 = vector.shape_cast %swap3A_919 : vector<1x16xf32> to vector<16xf32>
        %swap3A_921 = vector.shape_cast %add3A_915 : vector<16xf32> to vector<1x16xf32>
        tpu.vector_store %arg9[%swap3A_917, %swap3A_918], %swap3A_921 {strides = array<i32>} : memref<77x512xf32, #tpu.memory_space<vmem>>, vector<1x16xf32>,
        %get3A_922 = arith.constant 52 : i32
        %get3A_923 = arith.index_cast %get3A_922 : i32 to index
        %get3A_924 = arith.index_cast %mul3A_39 : i32 to index
        %get3A_925 = tpu.vector_load %arg8[%get3A_923, %get3A_924] {strides = array<i32>} : memref<80x512xf32, #tpu.memory_space<vmem>>, vector<1x16xf32>,
        %get3A_926 = vector.shape_cast %get3A_925 : vector<1x16xf32> to vector<16xf32>
        %get3A_927 = arith.constant 52 : i32
        %get3A_928 = arith.index_cast %get3A_927 : i32 to index
        %get3A_929 = arith.index_cast %mul3A_39 : i32 to index
        %get3A_930 = tpu.vector_load %arg7[%get3A_928, %get3A_929] {strides = array<i32>} : memref<77x512xf32, #tpu.memory_space<vmem>>, vector<1x16xf32>,
        %get3A_931 = vector.shape_cast %get3A_930 : vector<1x16xf32> to vector<16xf32>
        %add3A_932 = arith.addf %get3A_926, %get3A_931 : vector<16xf32>
        %swap3A_933 = arith.constant 52 : i32
        %swap3A_934 = arith.index_cast %swap3A_933 : i32 to index
        %swap3A_935 = arith.index_cast %mul3A_39 : i32 to index
        %swap3A_936 = tpu.vector_load %arg9[%swap3A_934, %swap3A_935] {strides = array<i32>} : memref<77x512xf32, #tpu.memory_space<vmem>>, vector<1x16xf32>,
        %swap3A_937 = vector.shape_cast %swap3A_936 : vector<1x16xf32> to vector<16xf32>
        %swap3A_938 = vector.shape_cast %add3A_932 : vector<16xf32> to vector<1x16xf32>
        tpu.vector_store %arg9[%swap3A_934, %swap3A_935], %swap3A_938 {strides = array<i32>} : memref<77x512xf32, #tpu.memory_space<vmem>>, vector<1x16xf32>,
        %get3A_939 = arith.constant 53 : i32
        %get3A_940 = arith.index_cast %get3A_939 : i32 to index
        %get3A_941 = arith.index_cast %mul3A_39 : i32 to index
        %get3A_942 = tpu.vector_load %arg8[%get3A_940, %get3A_941] {strides = array<i32>} : memref<80x512xf32, #tpu.memory_space<vmem>>, vector<1x16xf32>,
        %get3A_943 = vector.shape_cast %get3A_942 : vector<1x16xf32> to vector<16xf32>
        %get3A_944 = arith.constant 53 : i32
        %get3A_945 = arith.index_cast %get3A_944 : i32 to index
        %get3A_946 = arith.index_cast %mul3A_39 : i32 to index
        %get3A_947 = tpu.vector_load %arg7[%get3A_945, %get3A_946] {strides = array<i32>} : memref<77x512xf32, #tpu.memory_space<vmem>>, vector<1x16xf32>,
        %get3A_948 = vector.shape_cast %get3A_947 : vector<1x16xf32> to vector<16xf32>
        %add3A_949 = arith.addf %get3A_943, %get3A_948 : vector<16xf32>
        %swap3A_950 = arith.constant 53 : i32
        %swap3A_951 = arith.index_cast %swap3A_950 : i32 to index
        %swap3A_952 = arith.index_cast %mul3A_39 : i32 to index
        %swap3A_953 = tpu.vector_load %arg9[%swap3A_951, %swap3A_952] {strides = array<i32>} : memref<77x512xf32, #tpu.memory_space<vmem>>, vector<1x16xf32>,
        %swap3A_954 = vector.shape_cast %swap3A_953 : vector<1x16xf32> to vector<16xf32>
        %swap3A_955 = vector.shape_cast %add3A_949 : vector<16xf32> to vector<1x16xf32>
        tpu.vector_store %arg9[%swap3A_951, %swap3A_952], %swap3A_955 {strides = array<i32>} : memref<77x512xf32, #tpu.memory_space<vmem>>, vector<1x16xf32>,
        %get3A_956 = arith.constant 54 : i32
        %get3A_957 = arith.index_cast %get3A_956 : i32 to index
        %get3A_958 = arith.index_cast %mul3A_39 : i32 to index
        %get3A_959 = tpu.vector_load %arg8[%get3A_957, %get3A_958] {strides = array<i32>} : memref<80x512xf32, #tpu.memory_space<vmem>>, vector<1x16xf32>,
        %get3A_960 = vector.shape_cast %get3A_959 : vector<1x16xf32> to vector<16xf32>
        %get3A_961 = arith.constant 54 : i32
        %get3A_962 = arith.index_cast %get3A_961 : i32 to index
        %get3A_963 = arith.index_cast %mul3A_39 : i32 to index
        %get3A_964 = tpu.vector_load %arg7[%get3A_962, %get3A_963] {strides = array<i32>} : memref<77x512xf32, #tpu.memory_space<vmem>>, vector<1x16xf32>,
        %get3A_965 = vector.shape_cast %get3A_964 : vector<1x16xf32> to vector<16xf32>
        %add3A_966 = arith.addf %get3A_960, %get3A_965 : vector<16xf32>
        %swap3A_967 = arith.constant 54 : i32
        %swap3A_968 = arith.index_cast %swap3A_967 : i32 to index
        %swap3A_969 = arith.index_cast %mul3A_39 : i32 to index
        %swap3A_970 = tpu.vector_load %arg9[%swap3A_968, %swap3A_969] {strides = array<i32>} : memref<77x512xf32, #tpu.memory_space<vmem>>, vector<1x16xf32>,
        %swap3A_971 = vector.shape_cast %swap3A_970 : vector<1x16xf32> to vector<16xf32>
        %swap3A_972 = vector.shape_cast %add3A_966 : vector<16xf32> to vector<1x16xf32>
        tpu.vector_store %arg9[%swap3A_968, %swap3A_969], %swap3A_972 {strides = array<i32>} : memref<77x512xf32, #tpu.memory_space<vmem>>, vector<1x16xf32>,
        %get3A_973 = arith.constant 55 : i32
        %get3A_974 = arith.index_cast %get3A_973 : i32 to index
        %get3A_975 = arith.index_cast %mul3A_39 : i32 to index
        %get3A_976 = tpu.vector_load %arg8[%get3A_974, %get3A_975] {strides = array<i32>} : memref<80x512xf32, #tpu.memory_space<vmem>>, vector<1x16xf32>,
        %get3A_977 = vector.shape_cast %get3A_976 : vector<1x16xf32> to vector<16xf32>
        %get3A_978 = arith.constant 55 : i32
        %get3A_979 = arith.index_cast %get3A_978 : i32 to index
        %get3A_980 = arith.index_cast %mul3A_39 : i32 to index
        %get3A_981 = tpu.vector_load %arg7[%get3A_979, %get3A_980] {strides = array<i32>} : memref<77x512xf32, #tpu.memory_space<vmem>>, vector<1x16xf32>,
        %get3A_982 = vector.shape_cast %get3A_981 : vector<1x16xf32> to vector<16xf32>
        %add3A_983 = arith.addf %get3A_977, %get3A_982 : vector<16xf32>
        %swap3A_984 = arith.constant 55 : i32
        %swap3A_985 = arith.index_cast %swap3A_984 : i32 to index
        %swap3A_986 = arith.index_cast %mul3A_39 : i32 to index
        %swap3A_987 = tpu.vector_load %arg9[%swap3A_985, %swap3A_986] {strides = array<i32>} : memref<77x512xf32, #tpu.memory_space<vmem>>, vector<1x16xf32>,
        %swap3A_988 = vector.shape_cast %swap3A_987 : vector<1x16xf32> to vector<16xf32>
        %swap3A_989 = vector.shape_cast %add3A_983 : vector<16xf32> to vector<1x16xf32>
        tpu.vector_store %arg9[%swap3A_985, %swap3A_986], %swap3A_989 {strides = array<i32>} : memref<77x512xf32, #tpu.memory_space<vmem>>, vector<1x16xf32>,
        %get3A_990 = arith.constant 56 : i32
        %get3A_991 = arith.index_cast %get3A_990 : i32 to index
        %get3A_992 = arith.index_cast %mul3A_39 : i32 to index
        %get3A_993 = tpu.vector_load %arg8[%get3A_991, %get3A_992] {strides = array<i32>} : memref<80x512xf32, #tpu.memory_space<vmem>>, vector<1x16xf32>,
        %get3A_994 = vector.shape_cast %get3A_993 : vector<1x16xf32> to vector<16xf32>
        %get3A_995 = arith.constant 56 : i32
        %get3A_996 = arith.index_cast %get3A_995 : i32 to index
        %get3A_997 = arith.index_cast %mul3A_39 : i32 to index
        %get3A_998 = tpu.vector_load %arg7[%get3A_996, %get3A_997] {strides = array<i32>} : memref<77x512xf32, #tpu.memory_space<vmem>>, vector<1x16xf32>,
        %get3A_999 = vector.shape_cast %get3A_998 : vector<1x16xf32> to vector<16xf32>
        %add3A_1000 = arith.addf %get3A_994, %get3A_999 : vector<16xf32>
        %swap3A_1001 = arith.constant 56 : i32
        %swap3A_1002 = arith.index_cast %swap3A_1001 : i32 to index
        %swap3A_1003 = arith.index_cast %mul3A_39 : i32 to index
        %swap3A_1004 = tpu.vector_load %arg9[%swap3A_1002, %swap3A_1003] {strides = array<i32>} : memref<77x512xf32, #tpu.memory_space<vmem>>, vector<1x16xf32>,
        %swap3A_1005 = vector.shape_cast %swap3A_1004 : vector<1x16xf32> to vector<16xf32>
        %swap3A_1006 = vector.shape_cast %add3A_1000 : vector<16xf32> to vector<1x16xf32>
        tpu.vector_store %arg9[%swap3A_1002, %swap3A_1003], %swap3A_1006 {strides = array<i32>} : memref<77x512xf32, #tpu.memory_space<vmem>>, vector<1x16xf32>,
        %get3A_1007 = arith.constant 57 : i32
        %get3A_1008 = arith.index_cast %get3A_1007 : i32 to index
        %get3A_1009 = arith.index_cast %mul3A_39 : i32 to index
        %get3A_1010 = tpu.vector_load %arg8[%get3A_1008, %get3A_1009] {strides = array<i32>} : memref<80x512xf32, #tpu.memory_space<vmem>>, vector<1x16xf32>,
        %get3A_1011 = vector.shape_cast %get3A_1010 : vector<1x16xf32> to vector<16xf32>
        %get3A_1012 = arith.constant 57 : i32
        %get3A_1013 = arith.index_cast %get3A_1012 : i32 to index
        %get3A_1014 = arith.index_cast %mul3A_39 : i32 to index
        %get3A_1015 = tpu.vector_load %arg7[%get3A_1013, %get3A_1014] {strides = array<i32>} : memref<77x512xf32, #tpu.memory_space<vmem>>, vector<1x16xf32>,
        %get3A_1016 = vector.shape_cast %get3A_1015 : vector<1x16xf32> to vector<16xf32>
        %add3A_1017 = arith.addf %get3A_1011, %get3A_1016 : vector<16xf32>
        %swap3A_1018 = arith.constant 57 : i32
        %swap3A_1019 = arith.index_cast %swap3A_1018 : i32 to index
        %swap3A_1020 = arith.index_cast %mul3A_39 : i32 to index
        %swap3A_1021 = tpu.vector_load %arg9[%swap3A_1019, %swap3A_1020] {strides = array<i32>} : memref<77x512xf32, #tpu.memory_space<vmem>>, vector<1x16xf32>,
        %swap3A_1022 = vector.shape_cast %swap3A_1021 : vector<1x16xf32> to vector<16xf32>
        %swap3A_1023 = vector.shape_cast %add3A_1017 : vector<16xf32> to vector<1x16xf32>
        tpu.vector_store %arg9[%swap3A_1019, %swap3A_1020], %swap3A_1023 {strides = array<i32>} : memref<77x512xf32, #tpu.memory_space<vmem>>, vector<1x16xf32>,
        %get3A_1024 = arith.constant 58 : i32
        %get3A_1025 = arith.index_cast %get3A_1024 : i32 to index
        %get3A_1026 = arith.index_cast %mul3A_39 : i32 to index
        %get3A_1027 = tpu.vector_load %arg8[%get3A_1025, %get3A_1026] {strides = array<i32>} : memref<80x512xf32, #tpu.memory_space<vmem>>, vector<1x16xf32>,
        %get3A_1028 = vector.shape_cast %get3A_1027 : vector<1x16xf32> to vector<16xf32>
        %get3A_1029 = arith.constant 58 : i32
        %get3A_1030 = arith.index_cast %get3A_1029 : i32 to index
        %get3A_1031 = arith.index_cast %mul3A_39 : i32 to index
        %get3A_1032 = tpu.vector_load %arg7[%get3A_1030, %get3A_1031] {strides = array<i32>} : memref<77x512xf32, #tpu.memory_space<vmem>>, vector<1x16xf32>,
        %get3A_1033 = vector.shape_cast %get3A_1032 : vector<1x16xf32> to vector<16xf32>
        %add3A_1034 = arith.addf %get3A_1028, %get3A_1033 : vector<16xf32>
        %swap3A_1035 = arith.constant 58 : i32
        %swap3A_1036 = arith.index_cast %swap3A_1035 : i32 to index
        %swap3A_1037 = arith.index_cast %mul3A_39 : i32 to index
        %swap3A_1038 = tpu.vector_load %arg9[%swap3A_1036, %swap3A_1037] {strides = array<i32>} : memref<77x512xf32, #tpu.memory_space<vmem>>, vector<1x16xf32>,
        %swap3A_1039 = vector.shape_cast %swap3A_1038 : vector<1x16xf32> to vector<16xf32>
        %swap3A_1040 = vector.shape_cast %add3A_1034 : vector<16xf32> to vector<1x16xf32>
        tpu.vector_store %arg9[%swap3A_1036, %swap3A_1037], %swap3A_1040 {strides = array<i32>} : memref<77x512xf32, #tpu.memory_space<vmem>>, vector<1x16xf32>,
        %get3A_1041 = arith.constant 59 : i32
        %get3A_1042 = arith.index_cast %get3A_1041 : i32 to index
        %get3A_1043 = arith.index_cast %mul3A_39 : i32 to index
        %get3A_1044 = tpu.vector_load %arg8[%get3A_1042, %get3A_1043] {strides = array<i32>} : memref<80x512xf32, #tpu.memory_space<vmem>>, vector<1x16xf32>,
        %get3A_1045 = vector.shape_cast %get3A_1044 : vector<1x16xf32> to vector<16xf32>
        %get3A_1046 = arith.constant 59 : i32
        %get3A_1047 = arith.index_cast %get3A_1046 : i32 to index
        %get3A_1048 = arith.index_cast %mul3A_39 : i32 to index
        %get3A_1049 = tpu.vector_load %arg7[%get3A_1047, %get3A_1048] {strides = array<i32>} : memref<77x512xf32, #tpu.memory_space<vmem>>, vector<1x16xf32>,
        %get3A_1050 = vector.shape_cast %get3A_1049 : vector<1x16xf32> to vector<16xf32>
        %add3A_1051 = arith.addf %get3A_1045, %get3A_1050 : vector<16xf32>
        %swap3A_1052 = arith.constant 59 : i32
        %swap3A_1053 = arith.index_cast %swap3A_1052 : i32 to index
        %swap3A_1054 = arith.index_cast %mul3A_39 : i32 to index
        %swap3A_1055 = tpu.vector_load %arg9[%swap3A_1053, %swap3A_1054] {strides = array<i32>} : memref<77x512xf32, #tpu.memory_space<vmem>>, vector<1x16xf32>,
        %swap3A_1056 = vector.shape_cast %swap3A_1055 : vector<1x16xf32> to vector<16xf32>
        %swap3A_1057 = vector.shape_cast %add3A_1051 : vector<16xf32> to vector<1x16xf32>
        tpu.vector_store %arg9[%swap3A_1053, %swap3A_1054], %swap3A_1057 {strides = array<i32>} : memref<77x512xf32, #tpu.memory_space<vmem>>, vector<1x16xf32>,
        %get3A_1058 = arith.constant 60 : i32
        %get3A_1059 = arith.index_cast %get3A_1058 : i32 to index
        %get3A_1060 = arith.index_cast %mul3A_39 : i32 to index
        %get3A_1061 = tpu.vector_load %arg8[%get3A_1059, %get3A_1060] {strides = array<i32>} : memref<80x512xf32, #tpu.memory_space<vmem>>, vector<1x16xf32>,
        %get3A_1062 = vector.shape_cast %get3A_1061 : vector<1x16xf32> to vector<16xf32>
        %get3A_1063 = arith.constant 60 : i32
        %get3A_1064 = arith.index_cast %get3A_1063 : i32 to index
        %get3A_1065 = arith.index_cast %mul3A_39 : i32 to index
        %get3A_1066 = tpu.vector_load %arg7[%get3A_1064, %get3A_1065] {strides = array<i32>} : memref<77x512xf32, #tpu.memory_space<vmem>>, vector<1x16xf32>,
        %get3A_1067 = vector.shape_cast %get3A_1066 : vector<1x16xf32> to vector<16xf32>
        %add3A_1068 = arith.addf %get3A_1062, %get3A_1067 : vector<16xf32>
        %swap3A_1069 = arith.constant 60 : i32
        %swap3A_1070 = arith.index_cast %swap3A_1069 : i32 to index
        %swap3A_1071 = arith.index_cast %mul3A_39 : i32 to index
        %swap3A_1072 = tpu.vector_load %arg9[%swap3A_1070, %swap3A_1071] {strides = array<i32>} : memref<77x512xf32, #tpu.memory_space<vmem>>, vector<1x16xf32>,
        %swap3A_1073 = vector.shape_cast %swap3A_1072 : vector<1x16xf32> to vector<16xf32>
        %swap3A_1074 = vector.shape_cast %add3A_1068 : vector<16xf32> to vector<1x16xf32>
        tpu.vector_store %arg9[%swap3A_1070, %swap3A_1071], %swap3A_1074 {strides = array<i32>} : memref<77x512xf32, #tpu.memory_space<vmem>>, vector<1x16xf32>,
        %get3A_1075 = arith.constant 61 : i32
        %get3A_1076 = arith.index_cast %get3A_1075 : i32 to index
        %get3A_1077 = arith.index_cast %mul3A_39 : i32 to index
        %get3A_1078 = tpu.vector_load %arg8[%get3A_1076, %get3A_1077] {strides = array<i32>} : memref<80x512xf32, #tpu.memory_space<vmem>>, vector<1x16xf32>,
        %get3A_1079 = vector.shape_cast %get3A_1078 : vector<1x16xf32> to vector<16xf32>
        %get3A_1080 = arith.constant 61 : i32
        %get3A_1081 = arith.index_cast %get3A_1080 : i32 to index
        %get3A_1082 = arith.index_cast %mul3A_39 : i32 to index
        %get3A_1083 = tpu.vector_load %arg7[%get3A_1081, %get3A_1082] {strides = array<i32>} : memref<77x512xf32, #tpu.memory_space<vmem>>, vector<1x16xf32>,
        %get3A_1084 = vector.shape_cast %get3A_1083 : vector<1x16xf32> to vector<16xf32>
        %add3A_1085 = arith.addf %get3A_1079, %get3A_1084 : vector<16xf32>
        %swap3A_1086 = arith.constant 61 : i32
        %swap3A_1087 = arith.index_cast %swap3A_1086 : i32 to index
        %swap3A_1088 = arith.index_cast %mul3A_39 : i32 to index
        %swap3A_1089 = tpu.vector_load %arg9[%swap3A_1087, %swap3A_1088] {strides = array<i32>} : memref<77x512xf32, #tpu.memory_space<vmem>>, vector<1x16xf32>,
        %swap3A_1090 = vector.shape_cast %swap3A_1089 : vector<1x16xf32> to vector<16xf32>
        %swap3A_1091 = vector.shape_cast %add3A_1085 : vector<16xf32> to vector<1x16xf32>
        tpu.vector_store %arg9[%swap3A_1087, %swap3A_1088], %swap3A_1091 {strides = array<i32>} : memref<77x512xf32, #tpu.memory_space<vmem>>, vector<1x16xf32>,
        %get3A_1092 = arith.constant 62 : i32
        %get3A_1093 = arith.index_cast %get3A_1092 : i32 to index
        %get3A_1094 = arith.index_cast %mul3A_39 : i32 to index
        %get3A_1095 = tpu.vector_load %arg8[%get3A_1093, %get3A_1094] {strides = array<i32>} : memref<80x512xf32, #tpu.memory_space<vmem>>, vector<1x16xf32>,
        %get3A_1096 = vector.shape_cast %get3A_1095 : vector<1x16xf32> to vector<16xf32>
        %get3A_1097 = arith.constant 62 : i32
        %get3A_1098 = arith.index_cast %get3A_1097 : i32 to index
        %get3A_1099 = arith.index_cast %mul3A_39 : i32 to index
        %get3A_1100 = tpu.vector_load %arg7[%get3A_1098, %get3A_1099] {strides = array<i32>} : memref<77x512xf32, #tpu.memory_space<vmem>>, vector<1x16xf32>,
        %get3A_1101 = vector.shape_cast %get3A_1100 : vector<1x16xf32> to vector<16xf32>
        %add3A_1102 = arith.addf %get3A_1096, %get3A_1101 : vector<16xf32>
        %swap3A_1103 = arith.constant 62 : i32
        %swap3A_1104 = arith.index_cast %swap3A_1103 : i32 to index
        %swap3A_1105 = arith.index_cast %mul3A_39 : i32 to index
        %swap3A_1106 = tpu.vector_load %arg9[%swap3A_1104, %swap3A_1105] {strides = array<i32>} : memref<77x512xf32, #tpu.memory_space<vmem>>, vector<1x16xf32>,
        %swap3A_1107 = vector.shape_cast %swap3A_1106 : vector<1x16xf32> to vector<16xf32>
        %swap3A_1108 = vector.shape_cast %add3A_1102 : vector<16xf32> to vector<1x16xf32>
        tpu.vector_store %arg9[%swap3A_1104, %swap3A_1105], %swap3A_1108 {strides = array<i32>} : memref<77x512xf32, #tpu.memory_space<vmem>>, vector<1x16xf32>,
        %get3A_1109 = arith.constant 63 : i32
        %get3A_1110 = arith.index_cast %get3A_1109 : i32 to index
        %get3A_1111 = arith.index_cast %mul3A_39 : i32 to index
        %get3A_1112 = tpu.vector_load %arg8[%get3A_1110, %get3A_1111] {strides = array<i32>} : memref<80x512xf32, #tpu.memory_space<vmem>>, vector<1x16xf32>,
        %get3A_1113 = vector.shape_cast %get3A_1112 : vector<1x16xf32> to vector<16xf32>
        %get3A_1114 = arith.constant 63 : i32
        %get3A_1115 = arith.index_cast %get3A_1114 : i32 to index
        %get3A_1116 = arith.index_cast %mul3A_39 : i32 to index
        %get3A_1117 = tpu.vector_load %arg7[%get3A_1115, %get3A_1116] {strides = array<i32>} : memref<77x512xf32, #tpu.memory_space<vmem>>, vector<1x16xf32>,
        %get3A_1118 = vector.shape_cast %get3A_1117 : vector<1x16xf32> to vector<16xf32>
        %add3A_1119 = arith.addf %get3A_1113, %get3A_1118 : vector<16xf32>
        %swap3A_1120 = arith.constant 63 : i32
        %swap3A_1121 = arith.index_cast %swap3A_1120 : i32 to index
        %swap3A_1122 = arith.index_cast %mul3A_39 : i32 to index
        %swap3A_1123 = tpu.vector_load %arg9[%swap3A_1121, %swap3A_1122] {strides = array<i32>} : memref<77x512xf32, #tpu.memory_space<vmem>>, vector<1x16xf32>,
        %swap3A_1124 = vector.shape_cast %swap3A_1123 : vector<1x16xf32> to vector<16xf32>
        %swap3A_1125 = vector.shape_cast %add3A_1119 : vector<16xf32> to vector<1x16xf32>
        tpu.vector_store %arg9[%swap3A_1121, %swap3A_1122], %swap3A_1125 {strides = array<i32>} : memref<77x512xf32, #tpu.memory_space<vmem>>, vector<1x16xf32>,
        %get3A_1126 = arith.constant 64 : i32
        %get3A_1127 = arith.index_cast %get3A_1126 : i32 to index
        %get3A_1128 = arith.index_cast %mul3A_39 : i32 to index
        %get3A_1129 = tpu.vector_load %arg8[%get3A_1127, %get3A_1128] {strides = array<i32>} : memref<80x512xf32, #tpu.memory_space<vmem>>, vector<1x16xf32>,
        %get3A_1130 = vector.shape_cast %get3A_1129 : vector<1x16xf32> to vector<16xf32>
        %get3A_1131 = arith.constant 64 : i32
        %get3A_1132 = arith.index_cast %get3A_1131 : i32 to index
        %get3A_1133 = arith.index_cast %mul3A_39 : i32 to index
        %get3A_1134 = tpu.vector_load %arg7[%get3A_1132, %get3A_1133] {strides = array<i32>} : memref<77x512xf32, #tpu.memory_space<vmem>>, vector<1x16xf32>,
        %get3A_1135 = vector.shape_cast %get3A_1134 : vector<1x16xf32> to vector<16xf32>
        %add3A_1136 = arith.addf %get3A_1130, %get3A_1135 : vector<16xf32>
        %swap3A_1137 = arith.constant 64 : i32
        %swap3A_1138 = arith.index_cast %swap3A_1137 : i32 to index
        %swap3A_1139 = arith.index_cast %mul3A_39 : i32 to index
        %swap3A_1140 = tpu.vector_load %arg9[%swap3A_1138, %swap3A_1139] {strides = array<i32>} : memref<77x512xf32, #tpu.memory_space<vmem>>, vector<1x16xf32>,
        %swap3A_1141 = vector.shape_cast %swap3A_1140 : vector<1x16xf32> to vector<16xf32>
        %swap3A_1142 = vector.shape_cast %add3A_1136 : vector<16xf32> to vector<1x16xf32>
        tpu.vector_store %arg9[%swap3A_1138, %swap3A_1139], %swap3A_1142 {strides = array<i32>} : memref<77x512xf32, #tpu.memory_space<vmem>>, vector<1x16xf32>,
        %get3A_1143 = arith.constant 65 : i32
        %get3A_1144 = arith.index_cast %get3A_1143 : i32 to index
        %get3A_1145 = arith.index_cast %mul3A_39 : i32 to index
        %get3A_1146 = tpu.vector_load %arg8[%get3A_1144, %get3A_1145] {strides = array<i32>} : memref<80x512xf32, #tpu.memory_space<vmem>>, vector<1x16xf32>,
        %get3A_1147 = vector.shape_cast %get3A_1146 : vector<1x16xf32> to vector<16xf32>
        %get3A_1148 = arith.constant 65 : i32
        %get3A_1149 = arith.index_cast %get3A_1148 : i32 to index
        %get3A_1150 = arith.index_cast %mul3A_39 : i32 to index
        %get3A_1151 = tpu.vector_load %arg7[%get3A_1149, %get3A_1150] {strides = array<i32>} : memref<77x512xf32, #tpu.memory_space<vmem>>, vector<1x16xf32>,
        %get3A_1152 = vector.shape_cast %get3A_1151 : vector<1x16xf32> to vector<16xf32>
        %add3A_1153 = arith.addf %get3A_1147, %get3A_1152 : vector<16xf32>
        %swap3A_1154 = arith.constant 65 : i32
        %swap3A_1155 = arith.index_cast %swap3A_1154 : i32 to index
        %swap3A_1156 = arith.index_cast %mul3A_39 : i32 to index
        %swap3A_1157 = tpu.vector_load %arg9[%swap3A_1155, %swap3A_1156] {strides = array<i32>} : memref<77x512xf32, #tpu.memory_space<vmem>>, vector<1x16xf32>,
        %swap3A_1158 = vector.shape_cast %swap3A_1157 : vector<1x16xf32> to vector<16xf32>
        %swap3A_1159 = vector.shape_cast %add3A_1153 : vector<16xf32> to vector<1x16xf32>
        tpu.vector_store %arg9[%swap3A_1155, %swap3A_1156], %swap3A_1159 {strides = array<i32>} : memref<77x512xf32, #tpu.memory_space<vmem>>, vector<1x16xf32>,
        %get3A_1160 = arith.constant 66 : i32
        %get3A_1161 = arith.index_cast %get3A_1160 : i32 to index
        %get3A_1162 = arith.index_cast %mul3A_39 : i32 to index
        %get3A_1163 = tpu.vector_load %arg8[%get3A_1161, %get3A_1162] {strides = array<i32>} : memref<80x512xf32, #tpu.memory_space<vmem>>, vector<1x16xf32>,
        %get3A_1164 = vector.shape_cast %get3A_1163 : vector<1x16xf32> to vector<16xf32>
        %get3A_1165 = arith.constant 66 : i32
        %get3A_1166 = arith.index_cast %get3A_1165 : i32 to index
        %get3A_1167 = arith.index_cast %mul3A_39 : i32 to index
        %get3A_1168 = tpu.vector_load %arg7[%get3A_1166, %get3A_1167] {strides = array<i32>} : memref<77x512xf32, #tpu.memory_space<vmem>>, vector<1x16xf32>,
        %get3A_1169 = vector.shape_cast %get3A_1168 : vector<1x16xf32> to vector<16xf32>
        %add3A_1170 = arith.addf %get3A_1164, %get3A_1169 : vector<16xf32>
        %swap3A_1171 = arith.constant 66 : i32
        %swap3A_1172 = arith.index_cast %swap3A_1171 : i32 to index
        %swap3A_1173 = arith.index_cast %mul3A_39 : i32 to index
        %swap3A_1174 = tpu.vector_load %arg9[%swap3A_1172, %swap3A_1173] {strides = array<i32>} : memref<77x512xf32, #tpu.memory_space<vmem>>, vector<1x16xf32>,
        %swap3A_1175 = vector.shape_cast %swap3A_1174 : vector<1x16xf32> to vector<16xf32>
        %swap3A_1176 = vector.shape_cast %add3A_1170 : vector<16xf32> to vector<1x16xf32>
        tpu.vector_store %arg9[%swap3A_1172, %swap3A_1173], %swap3A_1176 {strides = array<i32>} : memref<77x512xf32, #tpu.memory_space<vmem>>, vector<1x16xf32>,
        %get3A_1177 = arith.constant 67 : i32
        %get3A_1178 = arith.index_cast %get3A_1177 : i32 to index
        %get3A_1179 = arith.index_cast %mul3A_39 : i32 to index
        %get3A_1180 = tpu.vector_load %arg8[%get3A_1178, %get3A_1179] {strides = array<i32>} : memref<80x512xf32, #tpu.memory_space<vmem>>, vector<1x16xf32>,
        %get3A_1181 = vector.shape_cast %get3A_1180 : vector<1x16xf32> to vector<16xf32>
        %get3A_1182 = arith.constant 67 : i32
        %get3A_1183 = arith.index_cast %get3A_1182 : i32 to index
        %get3A_1184 = arith.index_cast %mul3A_39 : i32 to index
        %get3A_1185 = tpu.vector_load %arg7[%get3A_1183, %get3A_1184] {strides = array<i32>} : memref<77x512xf32, #tpu.memory_space<vmem>>, vector<1x16xf32>,
        %get3A_1186 = vector.shape_cast %get3A_1185 : vector<1x16xf32> to vector<16xf32>
        %add3A_1187 = arith.addf %get3A_1181, %get3A_1186 : vector<16xf32>
        %swap3A_1188 = arith.constant 67 : i32
        %swap3A_1189 = arith.index_cast %swap3A_1188 : i32 to index
        %swap3A_1190 = arith.index_cast %mul3A_39 : i32 to index
        %swap3A_1191 = tpu.vector_load %arg9[%swap3A_1189, %swap3A_1190] {strides = array<i32>} : memref<77x512xf32, #tpu.memory_space<vmem>>, vector<1x16xf32>,
        %swap3A_1192 = vector.shape_cast %swap3A_1191 : vector<1x16xf32> to vector<16xf32>
        %swap3A_1193 = vector.shape_cast %add3A_1187 : vector<16xf32> to vector<1x16xf32>
        tpu.vector_store %arg9[%swap3A_1189, %swap3A_1190], %swap3A_1193 {strides = array<i32>} : memref<77x512xf32, #tpu.memory_space<vmem>>, vector<1x16xf32>,
        %get3A_1194 = arith.constant 68 : i32
        %get3A_1195 = arith.index_cast %get3A_1194 : i32 to index
        %get3A_1196 = arith.index_cast %mul3A_39 : i32 to index
        %get3A_1197 = tpu.vector_load %arg8[%get3A_1195, %get3A_1196] {strides = array<i32>} : memref<80x512xf32, #tpu.memory_space<vmem>>, vector<1x16xf32>,
        %get3A_1198 = vector.shape_cast %get3A_1197 : vector<1x16xf32> to vector<16xf32>
        %get3A_1199 = arith.constant 68 : i32
        %get3A_1200 = arith.index_cast %get3A_1199 : i32 to index
        %get3A_1201 = arith.index_cast %mul3A_39 : i32 to index
        %get3A_1202 = tpu.vector_load %arg7[%get3A_1200, %get3A_1201] {strides = array<i32>} : memref<77x512xf32, #tpu.memory_space<vmem>>, vector<1x16xf32>,
        %get3A_1203 = vector.shape_cast %get3A_1202 : vector<1x16xf32> to vector<16xf32>
        %add3A_1204 = arith.addf %get3A_1198, %get3A_1203 : vector<16xf32>
        %swap3A_1205 = arith.constant 68 : i32
        %swap3A_1206 = arith.index_cast %swap3A_1205 : i32 to index
        %swap3A_1207 = arith.index_cast %mul3A_39 : i32 to index
        %swap3A_1208 = tpu.vector_load %arg9[%swap3A_1206, %swap3A_1207] {strides = array<i32>} : memref<77x512xf32, #tpu.memory_space<vmem>>, vector<1x16xf32>,
        %swap3A_1209 = vector.shape_cast %swap3A_1208 : vector<1x16xf32> to vector<16xf32>
        %swap3A_1210 = vector.shape_cast %add3A_1204 : vector<16xf32> to vector<1x16xf32>
        tpu.vector_store %arg9[%swap3A_1206, %swap3A_1207], %swap3A_1210 {strides = array<i32>} : memref<77x512xf32, #tpu.memory_space<vmem>>, vector<1x16xf32>,
        %get3A_1211 = arith.constant 69 : i32
        %get3A_1212 = arith.index_cast %get3A_1211 : i32 to index
        %get3A_1213 = arith.index_cast %mul3A_39 : i32 to index
        %get3A_1214 = tpu.vector_load %arg8[%get3A_1212, %get3A_1213] {strides = array<i32>} : memref<80x512xf32, #tpu.memory_space<vmem>>, vector<1x16xf32>,
        %get3A_1215 = vector.shape_cast %get3A_1214 : vector<1x16xf32> to vector<16xf32>
        %get3A_1216 = arith.constant 69 : i32
        %get3A_1217 = arith.index_cast %get3A_1216 : i32 to index
        %get3A_1218 = arith.index_cast %mul3A_39 : i32 to index
        %get3A_1219 = tpu.vector_load %arg7[%get3A_1217, %get3A_1218] {strides = array<i32>} : memref<77x512xf32, #tpu.memory_space<vmem>>, vector<1x16xf32>,
        %get3A_1220 = vector.shape_cast %get3A_1219 : vector<1x16xf32> to vector<16xf32>
        %add3A_1221 = arith.addf %get3A_1215, %get3A_1220 : vector<16xf32>
        %swap3A_1222 = arith.constant 69 : i32
        %swap3A_1223 = arith.index_cast %swap3A_1222 : i32 to index
        %swap3A_1224 = arith.index_cast %mul3A_39 : i32 to index
        %swap3A_1225 = tpu.vector_load %arg9[%swap3A_1223, %swap3A_1224] {strides = array<i32>} : memref<77x512xf32, #tpu.memory_space<vmem>>, vector<1x16xf32>,
        %swap3A_1226 = vector.shape_cast %swap3A_1225 : vector<1x16xf32> to vector<16xf32>
        %swap3A_1227 = vector.shape_cast %add3A_1221 : vector<16xf32> to vector<1x16xf32>
        tpu.vector_store %arg9[%swap3A_1223, %swap3A_1224], %swap3A_1227 {strides = array<i32>} : memref<77x512xf32, #tpu.memory_space<vmem>>, vector<1x16xf32>,
        %get3A_1228 = arith.constant 70 : i32
        %get3A_1229 = arith.index_cast %get3A_1228 : i32 to index
        %get3A_1230 = arith.index_cast %mul3A_39 : i32 to index
        %get3A_1231 = tpu.vector_load %arg8[%get3A_1229, %get3A_1230] {strides = array<i32>} : memref<80x512xf32, #tpu.memory_space<vmem>>, vector<1x16xf32>,
        %get3A_1232 = vector.shape_cast %get3A_1231 : vector<1x16xf32> to vector<16xf32>
        %get3A_1233 = arith.constant 70 : i32
        %get3A_1234 = arith.index_cast %get3A_1233 : i32 to index
        %get3A_1235 = arith.index_cast %mul3A_39 : i32 to index
        %get3A_1236 = tpu.vector_load %arg7[%get3A_1234, %get3A_1235] {strides = array<i32>} : memref<77x512xf32, #tpu.memory_space<vmem>>, vector<1x16xf32>,
        %get3A_1237 = vector.shape_cast %get3A_1236 : vector<1x16xf32> to vector<16xf32>
        %add3A_1238 = arith.addf %get3A_1232, %get3A_1237 : vector<16xf32>
        %swap3A_1239 = arith.constant 70 : i32
        %swap3A_1240 = arith.index_cast %swap3A_1239 : i32 to index
        %swap3A_1241 = arith.index_cast %mul3A_39 : i32 to index
        %swap3A_1242 = tpu.vector_load %arg9[%swap3A_1240, %swap3A_1241] {strides = array<i32>} : memref<77x512xf32, #tpu.memory_space<vmem>>, vector<1x16xf32>,
        %swap3A_1243 = vector.shape_cast %swap3A_1242 : vector<1x16xf32> to vector<16xf32>
        %swap3A_1244 = vector.shape_cast %add3A_1238 : vector<16xf32> to vector<1x16xf32>
        tpu.vector_store %arg9[%swap3A_1240, %swap3A_1241], %swap3A_1244 {strides = array<i32>} : memref<77x512xf32, #tpu.memory_space<vmem>>, vector<1x16xf32>,
        %get3A_1245 = arith.constant 71 : i32
        %get3A_1246 = arith.index_cast %get3A_1245 : i32 to index
        %get3A_1247 = arith.index_cast %mul3A_39 : i32 to index
        %get3A_1248 = tpu.vector_load %arg8[%get3A_1246, %get3A_1247] {strides = array<i32>} : memref<80x512xf32, #tpu.memory_space<vmem>>, vector<1x16xf32>,
        %get3A_1249 = vector.shape_cast %get3A_1248 : vector<1x16xf32> to vector<16xf32>
        %get3A_1250 = arith.constant 71 : i32
        %get3A_1251 = arith.index_cast %get3A_1250 : i32 to index
        %get3A_1252 = arith.index_cast %mul3A_39 : i32 to index
        %get3A_1253 = tpu.vector_load %arg7[%get3A_1251, %get3A_1252] {strides = array<i32>} : memref<77x512xf32, #tpu.memory_space<vmem>>, vector<1x16xf32>,
        %get3A_1254 = vector.shape_cast %get3A_1253 : vector<1x16xf32> to vector<16xf32>
        %add3A_1255 = arith.addf %get3A_1249, %get3A_1254 : vector<16xf32>
        %swap3A_1256 = arith.constant 71 : i32
        %swap3A_1257 = arith.index_cast %swap3A_1256 : i32 to index
        %swap3A_1258 = arith.index_cast %mul3A_39 : i32 to index
        %swap3A_1259 = tpu.vector_load %arg9[%swap3A_1257, %swap3A_1258] {strides = array<i32>} : memref<77x512xf32, #tpu.memory_space<vmem>>, vector<1x16xf32>,
        %swap3A_1260 = vector.shape_cast %swap3A_1259 : vector<1x16xf32> to vector<16xf32>
        %swap3A_1261 = vector.shape_cast %add3A_1255 : vector<16xf32> to vector<1x16xf32>
        tpu.vector_store %arg9[%swap3A_1257, %swap3A_1258], %swap3A_1261 {strides = array<i32>} : memref<77x512xf32, #tpu.memory_space<vmem>>, vector<1x16xf32>,
        %get3A_1262 = arith.constant 72 : i32
        %get3A_1263 = arith.index_cast %get3A_1262 : i32 to index
        %get3A_1264 = arith.index_cast %mul3A_39 : i32 to index
        %get3A_1265 = tpu.vector_load %arg8[%get3A_1263, %get3A_1264] {strides = array<i32>} : memref<80x512xf32, #tpu.memory_space<vmem>>, vector<1x16xf32>,
        %get3A_1266 = vector.shape_cast %get3A_1265 : vector<1x16xf32> to vector<16xf32>
        %get3A_1267 = arith.constant 72 : i32
        %get3A_1268 = arith.index_cast %get3A_1267 : i32 to index
        %get3A_1269 = arith.index_cast %mul3A_39 : i32 to index
        %get3A_1270 = tpu.vector_load %arg7[%get3A_1268, %get3A_1269] {strides = array<i32>} : memref<77x512xf32, #tpu.memory_space<vmem>>, vector<1x16xf32>,
        %get3A_1271 = vector.shape_cast %get3A_1270 : vector<1x16xf32> to vector<16xf32>
        %add3A_1272 = arith.addf %get3A_1266, %get3A_1271 : vector<16xf32>
        %swap3A_1273 = arith.constant 72 : i32
        %swap3A_1274 = arith.index_cast %swap3A_1273 : i32 to index
        %swap3A_1275 = arith.index_cast %mul3A_39 : i32 to index
        %swap3A_1276 = tpu.vector_load %arg9[%swap3A_1274, %swap3A_1275] {strides = array<i32>} : memref<77x512xf32, #tpu.memory_space<vmem>>, vector<1x16xf32>,
        %swap3A_1277 = vector.shape_cast %swap3A_1276 : vector<1x16xf32> to vector<16xf32>
        %swap3A_1278 = vector.shape_cast %add3A_1272 : vector<16xf32> to vector<1x16xf32>
        tpu.vector_store %arg9[%swap3A_1274, %swap3A_1275], %swap3A_1278 {strides = array<i32>} : memref<77x512xf32, #tpu.memory_space<vmem>>, vector<1x16xf32>,
        %get3A_1279 = arith.constant 73 : i32
        %get3A_1280 = arith.index_cast %get3A_1279 : i32 to index
        %get3A_1281 = arith.index_cast %mul3A_39 : i32 to index
        %get3A_1282 = tpu.vector_load %arg8[%get3A_1280, %get3A_1281] {strides = array<i32>} : memref<80x512xf32, #tpu.memory_space<vmem>>, vector<1x16xf32>,
        %get3A_1283 = vector.shape_cast %get3A_1282 : vector<1x16xf32> to vector<16xf32>
        %get3A_1284 = arith.constant 73 : i32
        %get3A_1285 = arith.index_cast %get3A_1284 : i32 to index
        %get3A_1286 = arith.index_cast %mul3A_39 : i32 to index
        %get3A_1287 = tpu.vector_load %arg7[%get3A_1285, %get3A_1286] {strides = array<i32>} : memref<77x512xf32, #tpu.memory_space<vmem>>, vector<1x16xf32>,
        %get3A_1288 = vector.shape_cast %get3A_1287 : vector<1x16xf32> to vector<16xf32>
        %add3A_1289 = arith.addf %get3A_1283, %get3A_1288 : vector<16xf32>
        %swap3A_1290 = arith.constant 73 : i32
        %swap3A_1291 = arith.index_cast %swap3A_1290 : i32 to index
        %swap3A_1292 = arith.index_cast %mul3A_39 : i32 to index
        %swap3A_1293 = tpu.vector_load %arg9[%swap3A_1291, %swap3A_1292] {strides = array<i32>} : memref<77x512xf32, #tpu.memory_space<vmem>>, vector<1x16xf32>,
        %swap3A_1294 = vector.shape_cast %swap3A_1293 : vector<1x16xf32> to vector<16xf32>
        %swap3A_1295 = vector.shape_cast %add3A_1289 : vector<16xf32> to vector<1x16xf32>
        tpu.vector_store %arg9[%swap3A_1291, %swap3A_1292], %swap3A_1295 {strides = array<i32>} : memref<77x512xf32, #tpu.memory_space<vmem>>, vector<1x16xf32>,
        %get3A_1296 = arith.constant 74 : i32
        %get3A_1297 = arith.index_cast %get3A_1296 : i32 to index
        %get3A_1298 = arith.index_cast %mul3A_39 : i32 to index
        %get3A_1299 = tpu.vector_load %arg8[%get3A_1297, %get3A_1298] {strides = array<i32>} : memref<80x512xf32, #tpu.memory_space<vmem>>, vector<1x16xf32>,
        %get3A_1300 = vector.shape_cast %get3A_1299 : vector<1x16xf32> to vector<16xf32>
        %get3A_1301 = arith.constant 74 : i32
        %get3A_1302 = arith.index_cast %get3A_1301 : i32 to index
        %get3A_1303 = arith.index_cast %mul3A_39 : i32 to index
        %get3A_1304 = tpu.vector_load %arg7[%get3A_1302, %get3A_1303] {strides = array<i32>} : memref<77x512xf32, #tpu.memory_space<vmem>>, vector<1x16xf32>,
        %get3A_1305 = vector.shape_cast %get3A_1304 : vector<1x16xf32> to vector<16xf32>
        %add3A_1306 = arith.addf %get3A_1300, %get3A_1305 : vector<16xf32>
        %swap3A_1307 = arith.constant 74 : i32
        %swap3A_1308 = arith.index_cast %swap3A_1307 : i32 to index
        %swap3A_1309 = arith.index_cast %mul3A_39 : i32 to index
        %swap3A_1310 = tpu.vector_load %arg9[%swap3A_1308, %swap3A_1309] {strides = array<i32>} : memref<77x512xf32, #tpu.memory_space<vmem>>, vector<1x16xf32>,
        %swap3A_1311 = vector.shape_cast %swap3A_1310 : vector<1x16xf32> to vector<16xf32>
        %swap3A_1312 = vector.shape_cast %add3A_1306 : vector<16xf32> to vector<1x16xf32>
        tpu.vector_store %arg9[%swap3A_1308, %swap3A_1309], %swap3A_1312 {strides = array<i32>} : memref<77x512xf32, #tpu.memory_space<vmem>>, vector<1x16xf32>,
        %get3A_1313 = arith.constant 75 : i32
        %get3A_1314 = arith.index_cast %get3A_1313 : i32 to index
        %get3A_1315 = arith.index_cast %mul3A_39 : i32 to index
        %get3A_1316 = tpu.vector_load %arg8[%get3A_1314, %get3A_1315] {strides = array<i32>} : memref<80x512xf32, #tpu.memory_space<vmem>>, vector<1x16xf32>,
        %get3A_1317 = vector.shape_cast %get3A_1316 : vector<1x16xf32> to vector<16xf32>
        %get3A_1318 = arith.constant 75 : i32
        %get3A_1319 = arith.index_cast %get3A_1318 : i32 to index
        %get3A_1320 = arith.index_cast %mul3A_39 : i32 to index
        %get3A_1321 = tpu.vector_load %arg7[%get3A_1319, %get3A_1320] {strides = array<i32>} : memref<77x512xf32, #tpu.memory_space<vmem>>, vector<1x16xf32>,
        %get3A_1322 = vector.shape_cast %get3A_1321 : vector<1x16xf32> to vector<16xf32>
        %add3A_1323 = arith.addf %get3A_1317, %get3A_1322 : vector<16xf32>
        %swap3A_1324 = arith.constant 75 : i32
        %swap3A_1325 = arith.index_cast %swap3A_1324 : i32 to index
        %swap3A_1326 = arith.index_cast %mul3A_39 : i32 to index
        %swap3A_1327 = tpu.vector_load %arg9[%swap3A_1325, %swap3A_1326] {strides = array<i32>} : memref<77x512xf32, #tpu.memory_space<vmem>>, vector<1x16xf32>,
        %swap3A_1328 = vector.shape_cast %swap3A_1327 : vector<1x16xf32> to vector<16xf32>
        %swap3A_1329 = vector.shape_cast %add3A_1323 : vector<16xf32> to vector<1x16xf32>
        tpu.vector_store %arg9[%swap3A_1325, %swap3A_1326], %swap3A_1329 {strides = array<i32>} : memref<77x512xf32, #tpu.memory_space<vmem>>, vector<1x16xf32>,
        %get3A_1330 = arith.constant 76 : i32
        %get3A_1331 = arith.index_cast %get3A_1330 : i32 to index
        %get3A_1332 = arith.index_cast %mul3A_39 : i32 to index
        %get3A_1333 = tpu.vector_load %arg8[%get3A_1331, %get3A_1332] {strides = array<i32>} : memref<80x512xf32, #tpu.memory_space<vmem>>, vector<1x16xf32>,
        %get3A_1334 = vector.shape_cast %get3A_1333 : vector<1x16xf32> to vector<16xf32>
        %get3A_1335 = arith.constant 76 : i32
        %get3A_1336 = arith.index_cast %get3A_1335 : i32 to index
        %get3A_1337 = arith.index_cast %mul3A_39 : i32 to index
        %get3A_1338 = tpu.vector_load %arg7[%get3A_1336, %get3A_1337] {strides = array<i32>} : memref<77x512xf32, #tpu.memory_space<vmem>>, vector<1x16xf32>,
        %get3A_1339 = vector.shape_cast %get3A_1338 : vector<1x16xf32> to vector<16xf32>
        %add3A_1340 = arith.addf %get3A_1334, %get3A_1339 : vector<16xf32>
        %swap3A_1341 = arith.constant 76 : i32
        %swap3A_1342 = arith.index_cast %swap3A_1341 : i32 to index
        %swap3A_1343 = arith.index_cast %mul3A_39 : i32 to index
        %swap3A_1344 = tpu.vector_load %arg9[%swap3A_1342, %swap3A_1343] {strides = array<i32>} : memref<77x512xf32, #tpu.memory_space<vmem>>, vector<1x16xf32>,
        %swap3A_1345 = vector.shape_cast %swap3A_1344 : vector<1x16xf32> to vector<16xf32>
        %swap3A_1346 = vector.shape_cast %add3A_1340 : vector<16xf32> to vector<1x16xf32>
        tpu.vector_store %arg9[%swap3A_1342, %swap3A_1343], %swap3A_1346 {strides = array<i32>} : memref<77x512xf32, #tpu.memory_space<vmem>>, vector<1x16xf32>,
      }
      %scan3A_31 = arith.constant 32 : i32
      %add3A_32 = arith.constant 1 : i32
      %add3A_33 = arith.addi %add3A_18, %add3A_32 : i32
      %lt3A = arith.constant 32 : i32
      %lt3A_34 = arith.cmpi slt, %add3A_33, %lt3A : i32
      %convert_element_type3A = arith.extui %lt3A_34 : i1 to i32
      %cond3A = arith.constant 0 : i32
      %cond3A_35 = arith.cmpi ne, %convert_element_type3A, %cond3A : i32
      scf.if %cond3A_35 {
        %add3A_37 = arith.constant 1 : i32
        %add3A_38 = arith.addi %add3A_18, %add3A_37 : i32
        %dma_start3A_39 = arith.constant 0 : i32
        %dma_start3A_40 = arith.constant 0 : i32
        %dma_start3A_41 = tpu.memref_slice %arg6[%add3A_38, %dma_start3A_39, %dma_start3A_40] : memref<32x1x80xi32, #tpu.memory_space<vmem>> -> memref<1x1x80xi32, #tpu.memory_space<vmem>>
        %dma_start3A_42 = tpu.memref_squeeze %dma_start3A_41 : memref<1x1x80xi32, #tpu.memory_space<vmem>> -> memref<80xi32, #tpu.memory_space<vmem>>
        %dma_start3A_43 = arith.constant 0 : i32
        %dma_start3A_44 = arith.constant 0 : i32
        %dma_start3A_45 = tpu.memref_slice %arg3[%dma_start3A_43, %dma_start3A_44] : memref<49408x512xf32, #tpu.memory_space<hbm>> -> memref<49408x512xf32, #tpu.memory_space<hbm>>
        tpu.enqueue_indirect_dma source(%dma_start3A_45 : memref<49408x512xf32, #tpu.memory_space<hbm>>) target(%arg8 : memref<80x512xf32, #tpu.memory_space<vmem>>) offsets(%dma_start3A_42 : memref<80xi32, #tpu.memory_space<vmem>>) semaphore(%arg10 : memref<!tpu.dma_semaphore, #tpu.memory_space<semaphore_mem>>)
      } else {
      }
      %add3A_36 = arith.addi %mul3A_2, %add3A_18 : i32
      "tpu.region"() ({
        %run_scoped3A = tpu.sem_alloc : memref<!tpu.dma_semaphore, #tpu.memory_space<semaphore_mem>>
        %dma_start3A_37 = arith.constant 0 : i32
        %dma_start3A_38 = arith.constant 0 : i32
        %dma_start3A_39 = tpu.memref_slice %arg5[%add3A_36, %dma_start3A_37, %dma_start3A_38] : memref<1024x77x512xf32, #tpu.memory_space<hbm>> -> memref<1x77x512xf32, #tpu.memory_space<hbm>>
        %dma_start3A_40 = tpu.memref_squeeze %dma_start3A_39 : memref<1x77x512xf32, #tpu.memory_space<hbm>> -> memref<77x512xf32, #tpu.memory_space<hbm>>
        %dma_start3A_41 = arith.constant 0 : i32
        %dma_start3A_42 = arith.constant 0 : i32
        %dma_start3A_43 = tpu.memref_slice %arg5[%add3A_36, %dma_start3A_41, %dma_start3A_42] : memref<1024x77x512xf32, #tpu.memory_space<hbm>> -> memref<1x77x512xf32, #tpu.memory_space<hbm>>
        %dma_start3A_44 = tpu.memref_squeeze %dma_start3A_43 : memref<1x77x512xf32, #tpu.memory_space<hbm>> -> memref<77x512xf32, #tpu.memory_space<hbm>>
        tpu.enqueue_dma source(%arg9 : memref<77x512xf32, #tpu.memory_space<vmem>>) target(%dma_start3A_44 : memref<77x512xf32, #tpu.memory_space<hbm>>) target_semaphore(%run_scoped3A : memref<!tpu.dma_semaphore, #tpu.memory_space<semaphore_mem>>)
        %dma_wait3A_45 = arith.constant 0 : i32
        %dma_wait3A_46 = arith.constant 0 : i32
        %dma_wait3A_47 = tpu.memref_slice %arg5[%add3A_36, %dma_wait3A_45, %dma_wait3A_46] : memref<1024x77x512xf32, #tpu.memory_space<hbm>> -> memref<1x77x512xf32, #tpu.memory_space<hbm>>
        %dma_wait3A_48 = tpu.memref_squeeze %dma_wait3A_47 : memref<1x77x512xf32, #tpu.memory_space<hbm>> -> memref<77x512xf32, #tpu.memory_space<hbm>>
        %dma_wait3A_49 = arith.constant 0 : i32
        %dma_wait3A_50 = arith.constant 0 : i32
        %dma_wait3A_51 = tpu.memref_slice %arg5[%add3A_36, %dma_wait3A_49, %dma_wait3A_50] : memref<1024x77x512xf32, #tpu.memory_space<hbm>> -> memref<1x77x512xf32, #tpu.memory_space<hbm>>
        %dma_wait3A_52 = tpu.memref_squeeze %dma_wait3A_51 : memref<1x77x512xf32, #tpu.memory_space<hbm>> -> memref<77x512xf32, #tpu.memory_space<hbm>>
        tpu.wait_dma2 semaphore(%run_scoped3A : memref<!tpu.dma_semaphore, #tpu.memory_space<semaphore_mem>>) src(%arg9 : memref<77x512xf32, #tpu.memory_space<vmem>>) dst(%dma_wait3A_52 : memref<77x512xf32, #tpu.memory_space<hbm>>)
        tpu.yield
      }) : () -> ()
    }
    %scan3A_13 = arith.constant 32 : i32
    return
  }
}

</mosaic_0001>

<sc_bundles>
// kernel: kernel.3.cloned.1.call-start
scs
__scs_entry_jumppad:
0x0: {  	(pc) =	sbr.rel $0x88, $3  }
0x1: {  	(tag) =	ssettag $0x0;
	lr =	simm.s32 $0x1  }
0x2: {  	[smem:$0x3F9E] =	sst lr;
	_ =	strace $0xD0000000  }
0x3: {  	_ = 	snop  }
0x4: {  	_ = 	snop  }
0x5: {  	_ = 	snop  }
0x6: {  	_ = 	snop  }
0x7: {  	_ = 	snop  }
__scs_overlays_trampoline_lowered:
0x8: {  	[smem:$0x3FAD] =	sst s0  }
0x9: {  	[smem:$0x3FAE] =	sst s1  }
0xa: {  	[smem:$0x3FAF] =	sst s2  }
0xb: {  	[smem:$0x3FB0] =	sst s3  }
0xc: {  	[smem:$0x3FB1] =	sst s4  }
0xd: {  	[smem:$0x3FB2] =	sst s5  }
0xe: {  	[smem:$0x3FB3] =	sst s6  }
0xf: {  	[smem:$0x3FB4] =	sst s7  }
0x10: {  	[smem:$0x3FB5] =	sst s8  }
0x11: {  	[smem:$0x3FB6] =	sst s9;
	s0 =	simm.s32 @!p0 $0x0  }
0x12: {  	s1 =	sld [smem:$0x3F9C];
	s0 =	simm.s32 @p0 $0x1  }
0x13: {  	[smem:$0x3FB7] =	sst s0;
	s0 =	simm.s32 @!p1 $0x0  }
0x14: {  	s2 =	sld [smem:$0x3F9B];
	s0 =	simm.s32 @p1 $0x1  }
0x15: {  	[smem:$0x3FB8] =	sst s0;
	s0 =	simm.s32 @!p2 $0x0  }
0x16: {  	s3 =	sld [smem:$0x3FDB];
	s0 =	simm.s32 @p2 $0x1  }
0x17: {  	s4 =	simm.s32 $0x1BF5;
	[smem:$0x3FBA] =	sst s0  }
0x18: {  	s0 =	sld [smem:$0x3F9D];
	_ =	swait.ge [sflag:s4], $0x0  }
0x19: {  	s7 =	sld [smem:$0x3F9E]  }
0x1a: {  	s8 =	sadd.s32 $0xFFFFE003, lr  }
0x1b: {  	s9 =	sadd.s32 $0xFFFFFEF7, lr;
	s5 =	simm.s32 $0xFFFFFFFF;
	p2 =	slt.u32 s8, $0xFFFFF086  }
0x1c: {  	p1 =	slt.u32 s9, $0xF7A;
	s5 =	simm.s32 @!p2 $0x0  }
0x1d: {  	s5 =	simm.s32 @p1 $0x1;
	p0 =	seq.s32 s7, s2  }
0x1e: {  	s7 =	smul.u32 @!p0 $0xF7A, s2;
	p2 =	seq.s32 @!p0 s5, $0x0  }
0x1f: {  	s9 =	smul.u32 $0xF7A, s1;
	s8 =	simm.s32 @!p0 $0x1BF5;
	p2 =	por !p2, p0  }
0x20: {  	[sflag:s8] =	ssyncset.s32 @!p0 $0xFFFFF086;
	s6 =	sadd.s32 @!p0 s3, s7;
	s7 =	simm.s32 @!p0 $0x108  }
0x21: {  	s3 =	sadd.s32 s3, s9;
	s6 =	sadd.s32 @!p0 $0x88, s6;
	s7 =	simm.s32 @p2 $0x1082  }
0x22: {  	[simem:s7], [sflag:s8] =	dma.local @!p0 [hbm:s6], $0xF7A  }
0x23: {  	s9 =	sor.u32 $0xD0000000, s2;
	s6 =	simm.s32 $0x108;
	_ =	swait.ge @!p0 [sflag:s8], $0x0  }
0x24: {  	s3 =	sadd.s32 $0x88, s3;
	s6 =	simm.s32 @!p1 $0x1082;
	[sflag:s4] =	ssyncset.s32 $0xFFFFF086  }
0x25: {  	[simem:s6], [sflag:s4] =	dma.local [hbm:s3], $0xF7A  }
0x26: {  	[smem:$0x3F9E] =	sst s1;
	(tag) =	ssettag s2;
	_ =	strace s9  }
0x27: {  	s1 =	sld [smem:$0x3FAE]  }
0x28: {  	s2 =	sld [smem:$0x3FAF]  }
0x29: {  	s4 =	sld [smem:$0x3FB1]  }
0x2a: {  	p0 =	seq.s32 s5, $0x0;
	s5 =	sld [smem:$0x3FB2]  }
0x2b: {  	s6 =	sld [smem:$0x3FB3]  }
0x2c: {  	s7 =	sld [smem:$0x3FB4]  }
0x2d: {  	s3 =	simm.s32 $0x108;
	s8 =	sld [smem:$0x3FB5]  }
0x2e: {  	s3 =	simm.s32 @!p0 $0x1082;
	s9 =	sld [smem:$0x3FB6]  }
0x2f: {  	lr =	sadd.s32 s0, s3;
	s0 =	sld [smem:$0x3FAD]  }
0x30: {  	s3 =	sld [smem:$0x3FB0]  }
0x31: {  	[smem:$0x3FB9] =	sst s10  }
0x32: {  	s10 =	sld [smem:$0x3FB7];
	_ =	sdelay $0x3  }
0x33: {  	p0 =	seq.s32 s10, $0x1;
	s10 =	sld [smem:$0x3FB9];
	_ =	sdelay $0x3  }
0x34: {  	[smem:$0x3FB9] =	sst s10  }
0x35: {  	s10 =	sld [smem:$0x3FB8];
	_ =	sdelay $0x3  }
0x36: {  	p1 =	seq.s32 s10, $0x1;
	s10 =	sld [smem:$0x3FB9];
	_ =	sdelay $0x3  }
0x37: {  	[smem:$0x3FB9] =	sst s10  }
0x38: {  	s10 =	sld [smem:$0x3FBA]  }
0x39: {  	_ = 	snop;
	(pc) =	sbr.ind lr, $3  }
0x3a: {  	_ = 	snop  }
0x3b: {  	_ = 	snop  }
0x3c: {  	p2 =	seq.s32 s10, $0x1;
	s10 =	sld [smem:$0x3FB9]  }
0x3d: {  	_ =	shalt  }
0x3e: {  	_ =	shalt  }
0x3f: {  	_ =	shalt  }
0x40: {  	_ =	shalt  }
0x41: {  	_ =	shalt  }
0x42: {  	_ =	shalt  }
0x43: {  	_ =	shalt  }
0x44: {  	_ =	shalt  }
0x45: {  	_ =	shalt  }
0x46: {  	_ =	shalt  }
0x47: {  	_ =	shalt  }
0x48: {  	_ =	shalt  }
0x49: {  	_ =	shalt  }
0x4a: {  	_ =	shalt  }
0x4b: {  	_ =	shalt  }
0x4c: {  	_ =	shalt  }
0x4d: {  	_ =	shalt  }
0x4e: {  	_ =	shalt  }
0x4f: {  	_ =	shalt  }
0x50: {  	_ =	shalt  }
0x51: {  	_ =	shalt  }
0x52: {  	_ =	shalt  }
0x53: {  	_ =	shalt  }
0x54: {  	_ =	shalt  }
0x55: {  	_ =	shalt  }
0x56: {  	_ =	shalt  }
0x57: {  	_ =	shalt  }
0x58: {  	_ =	shalt  }
0x59: {  	_ =	shalt  }
0x5a: {  	_ =	shalt  }
0x5b: {  	_ =	shalt  }
0x5c: {  	_ =	shalt  }
0x5d: {  	_ =	shalt  }
0x5e: {  	_ =	shalt  }
0x5f: {  	_ =	shalt  }
0x60: {  	_ =	shalt  }
0x61: {  	_ =	shalt  }
0x62: {  	_ =	shalt  }
0x63: {  	_ =	shalt  }
0x64: {  	_ =	shalt  }
0x65: {  	_ =	shalt  }
0x66: {  	_ =	shalt  }
0x67: {  	_ =	shalt  }
0x68: {  	_ =	shalt  }
0x69: {  	_ =	shalt  }
0x6a: {  	_ =	shalt  }
0x6b: {  	_ =	shalt  }
0x6c: {  	_ =	shalt  }
0x6d: {  	_ =	shalt  }
0x6e: {  	_ =	shalt  }
0x6f: {  	_ =	shalt  }
0x70: {  	_ =	shalt  }
0x71: {  	_ =	shalt  }
0x72: {  	_ =	shalt  }
0x73: {  	_ =	shalt  }
0x74: {  	_ =	shalt  }
0x75: {  	_ =	shalt  }
0x76: {  	_ =	shalt  }
0x77: {  	_ =	shalt  }
0x78: {  	_ =	shalt  }
0x79: {  	_ =	shalt  }
0x7a: {  	_ =	shalt  }
0x7b: {  	_ =	shalt  }
0x7c: {  	_ =	shalt  }
0x7d: {  	_ =	shalt  }
0x7e: {  	_ =	shalt  }
0x7f: {  	_ =	shalt  }
0x80: {  	_ =	shalt  }
0x81: {  	_ =	shalt  }
0x82: {  	_ =	shalt  }
0x83: {  	_ =	shalt  }
0x84: {  	_ =	shalt  }
0x85: {  	_ =	shalt  }
0x86: {  	_ =	shalt  }
0x87: {  	_ =	shalt  }
.Lfunc_end0:
.L_simem_size_0:
called_computation_lowered:
.L_overlay_start_0:
0x88: {  	s2 =	sld [smem:$0x3FD9]  }
0x89: {  	s3 =	sld [smem:$0x3FFE];
	_ =	sdelay $0x1  }
0x8a: {  	s1 =	srdreg.scid  }
0x8b: {  	s0 =	sand.u32 $0x1, s1  }
0x8c: {  	s17 =	sshll.u32 s0, $0xA;
	s2 =	sadd.s32 s3, s2  }
0x8d: {  	s2 =	sadd.s32 s2, s17  }
0x8e: {  	[smem:$0x3FC5] =	sst s2  }
0x8f: {  	_ = 	snop  }
0x90: {  	s2 =	sld [smem:$0x3FC8]  }
0x91: {  	s18 =	sld [smem:$0x3FC7]  }
0x92: {  	s4 =	sld [smem:$0x3FD0];
	(tm) =	ssettm $0x1  }
0x93: {  	s5 =	sld [smem:$0x3FFB];
	_ =	sdelay $0x3  }
0x94: {  	_ =	strace s5  }
0x95: {  	s5 =	sld [smem:$0x3FFC];
	_ =	sdelay $0x3  }
0x96: {  	_ =	strace s5  }
0x97: {  	s5 =	sld [smem:$0x3FFD];
	_ =	sdelay $0x3  }
0x98: {  	_ =	strace s5  }
0x99: {  	_ =	strace $0x8FFFFFFF  }
0x9a: {  	s19 =	sld [smem:$0x3FDB];
	_ =	sdelay $0x1  }
0x9b: {  	s6 =	simm.s32 $_scs_section_size  }
0x9c: {  	s7 =	simm.s32 $_size__tile_overlayer_lowered;
	s8 =	simm.s32 $_tile_overlayer_lowered  }
0x9d: {  	s22 =	simm.s32 $0x1BFF;
	s21 =	sshll.u32 s8, $0x1;
	s5 =	sadd.s32 s6, s19  }
0x9e: {  	s9 =	simm.s32 $0x0;
	s20 =	sshll.u32 s7, $0x1;
	s7 =	sadd.s32 s21, s5  }
0x9f: {  	[timem:s9], [sflag:s22] =	dma.local [hbm:s7], s20  }
0xa0: {  	_ =	swait.ge [sflag:s22], s20  }
0xa1: {  	s6 =	ssub.s32 $0x0, s20;
	[sflag:s22] =	ssyncset.done $0x0  }
0xa2: {  	[sflag:s22] =	ssyncadd.s32 s6;
	_ =	sdelay $0x1  }
0xa3: {  	s23 =	simm.s32 $0x1B8B  }
0xa4: {  	_ =	swait.ge [sflag:s23], $0x1  }
0xa5: {  	[sflag:s23] =	ssyncset.done $0x0  }
0xa6: {  	s25 =	simm.s32 $0x1B8E;
	s24 =	sld [smem:$0x3FFE];
	[sflag:s23] =	ssyncadd.s32 $0xFFFFFFFF  }
0xa7: {  	s26 =	simm.s32 $execute0_lowered;
	[smem:$0x3FD2] =	sst s25  }
0xa8: {  	s7 =	sshll.u32 s26, $0x1;
	_ =	strace $0x80000046;
	[dreg:$0x1] =	wrdreg $0xFFFFFFFF  }
0xa9: {  	s28 =	simm.s32 $_size_execute0_lowered;
	s5 =	sadd.s32 s5, s7;
	[dreg:$0x0] =	wrdreg $0x0  }
0xaa: {  	s7 =	sshll.u32 s28, $0x1;
	[dreg:$0x2] =	wrdreg s5  }
0xab: {  	[dreg:$0x3] =	wrdreg s7  }
0xac: {  	[dreg:$0x4] =	wrdreg $0xC0  }
0xad: {  	_ =	task [dreg:s9], $0x5FFFF  }
0xae: {  	[dreg:$0x1] =	wrdreg $0xFFFFFFFF  }
0xaf: {  	[dreg:$0x0] =	wrdreg $0x60  }
0xb0: {  	[dreg:$0x2] =	wrdreg s4  }
0xb1: {  	[dreg:$0x3] =	wrdreg s2  }
0xb2: {  	[dreg:$0x4] =	wrdreg s18  }
0xb3: {  	[dreg:$0x5] =	wrdreg s24  }
0xb4: {  	[dreg:$0x6] =	wrdreg $0x9  }
0xb5: {  	_ =	task.clear_ibuf [dreg:s9], $0x7FFFF;
	_ =	strace $0x90000046  }
0xb6: {  	s29 =	simm.s32 $0x9;
	_ =	strace $0x80000048  }
0xb7: {  	_ =	swait.ge [sflag:s29], $0x1  }
0xb8: {  	[sflag:s29] =	ssyncadd.s32 $0xFFFFFFFF  }
0xb9: {  	_ =	strace $0x90000048  }
0xba: {  	_ =	sfence  }
0xbb: {  	s30 =	sld [smem:$0x0];
	_ =	sdelay $0x2  }
0xbc: {  	s31 =	sshll.u32 s1, $0xD;
	s1 =	sshrl.u32 s1, $0x2  }
0xbd: {  	s3 =	sand.u32 $0x4000, s31;
	s1 =	sadd.s32 s1, s30  }
0xbe: {  	s0 =	sor.u32 s3, s0;
	s1 =	sshll.u32 s1, $0x11  }
0xbf: {  	s0 =	sor.u32 s1, s0  }
0xc0: {  	s0 =	sadd.s32 $0x8F2B, s0  }
0xc1: {  	[sflag:s0] =	ssyncadd.remote.s32 $0x1  }
0xc2: {  	_ =	sfence.sel $0xFFFF  }
0xc3: {  	[dreg:$0x0] =	wrdreg $0xFFFFFFFF;
	(pc) =	sbr.abs _section_cstart, $3  }
0xc4: {  	[dreg:$0x1] =	wrdreg $0xFFFFFFFF  }
0xc5: {  	_ =	task.clear_ibuf [dreg:s9], $0x2FFFF;
	_ =	strace $0x9FFFFFFF  }
0xc6: {  	(tm) =	ssettm $0x7FFFFFFF  }
0xc7: {  	_ =	shalt  }
tec
execute0_lowered:
.L_overlay_start_1:
0x0: {  	(tag) =	ssettag $0x1  }
0x1: {  	s0 =	rddreg [dreg:$0x0]  }
0x2: {  	s1 =	rddreg [dreg:$0x1]  }
0x3: {  	s2 =	rddreg [dreg:$0x3];
	s4 =	simm.s32 $0x0  }
0x4: {  	s3 =	srdreg.scid;
	s5 =	stileid.u32;
	s10 =	simm.s32 $0x2  }
0x5: {  	s16 =	simm.s32 $0xD000;
	s17 =	simm.s32 $0xD800;
	s18 =	simm.s32 $0xE000  }
0x6: {  	s19 =	simm.s32 $0xE800;
	s20 =	simm.s32 $0xF000;
	s21 =	simm.s32 $0xF800  }
0x7: {  	s22 =	simm.s32 $0x10000;
	s23 =	simm.s32 $0x10800;
	s24 =	simm.s32 $0x11000  }
0x8: {  	s28 =	simm.s32 $0x12800;
	s29 =	simm.s32 $0x13000;
	s30 =	simm.s32 $0x13800  }
0x9: {  	s31 =	simm.s32 $0x14000;
	s9 =	simm.s32 $0x0;
	[smem:$0x7FF] =	sst s4  }
0xa: {  	s3 =	sand.u32 $0x1, s3;
	s5 =	sshll.u32 s5, $0x1;
	s8 =	sadd.s32 $0x100, s1  }
0xb: {  	_ =	strace $0x80000047;
	s6 =	ssub.s32 $0x2, s3;
	s3 =	sor.u32 s3, s5  }
.Ltmp0:
0xc: {  	s5 =	sadd.s32 $0x400, s2;
	s25 =	sshrl.u32 s6, $0x1;
	(pc) =	sbr.rel .LBB2_1-.Ltmp0, $4  }
0xd: {  	s7 =	sshll.u32 s3, $0x9;
	s2 =	ssub.s32 s6, s25;
	s6 =	sshll.u32 s3, $0x5  }
0xe: {  	v2 =	vlaneseq.u32;
	s0 =	sadd.s32 s0, s7;
	s25 =	simm.s32 $0x11800;
	s3 =	simm.s32 $0x1  }
0xf: {  	vm0 =	vmmov $0xffff;
	v1 =	vshrl.u32 v2, $0x3;
	[dreg:$0x5] =	wrdreg s0;
	s26 =	smax.u32 s2, $0x1;
	s0 =	simm.s32 $0x14800  }
0x10: {  	v0 =	vand.u32 $0x7, v2;
	v2 =	vor.u32 $0x8, v2;
	v1 =	vmul.u32 $0x8, v1;
	s2 =	simm.s32 $0x15000;
	[dreg:$0x6] =	wrdreg s26;
	s26 =	simm.s32 $0x12000  }
.LBB2_7:
0x11: {  	s9 =	rddreg [dreg:$0x7]  }
0x12: {  	s7 =	rddreg [dreg:$0x6];
	s9 =	sadd.s32 $0x1, s9  }
0x13: {  	p0 =	sne.s32 s9, s7  }
.Ltmp1:
0x14: {  	_ = 	snop;
	(pc) =	sbr.rel @!p0 .LBB2_8-.Ltmp1, $1  }
0x15: {  	_ =	sdelay $0x3  }
.LBB2_1:
0x16: {  	[dreg:$0x7] =	wrdreg s9  }
0x17: {  	s7 =	rddreg [dreg:$0x5]  }
0x18: {  	[tilespmem:s4], [sflag:$0x2] =	stream.linear.gather [hbm4b:s7+s4], $0x1000, $0x38;
	[tilespmem:$0x1F000] =	vst v63  }
0x19: {  	_ =	swait.ge [sflag:s10], $0x1000  }
0x1a: {  	[sflag:s10] =	ssyncset.done $0x0  }
0x1b: {  	[sflag:s10] =	ssyncadd.s32 $0xFFFFF000  }
0x1c: {  	s11 =	simm.s32 $0x1000;
	s9 =	rddreg [dreg:$0x2]  }
0x1d: {  	[tilespmem:s11], [sflag:$0x2] =	stream.linear.gather [hbm4b:s9+s4], $0xA000, $0x38;
	[tilespmem:$0x1F000] =	vst v63  }
0x1e: {  	_ =	swait.ge [sflag:s10], $0xA000  }
0x1f: {  	[sflag:s10] =	ssyncset.done $0x0  }
0x20: {  	[sflag:s10] =	ssyncadd.s32 $0xFFFF6000  }
0x21: {  	v3 =	vld [tilespmem:$0x0];
	_ =	sdelay $0x4  }
0x22: {  	v4 =	vshll.u32 v3, $0x2  }
0x23: {  	v3 =	vand.u32 $0x7, v3;
	v4 =	vand.u32 $0xFFFFFFE0, v4  }
0x24: {  	v3 =	vor.u32 v3, v4  }
0x25: {  	v4 =	vperm.xlane v3, v0;
	_ =	sdelay $0x1  }
0x26: {  	v4 =	vadd.s32 v1, v4;
	_ =	sdelay $0x1  }
0x27: {  	v3 =	vperm.xlane v3, v2;
	_ =	sdelay $0x1  }
0x28: {  	s12 =	simm.s32 $0xB000;
	v3 =	vadd.s32 v1, v3  }
0x29: {  	[tilespmem:s12], [sflag:$0x1] =	stream.indirect_vreg.gather [hbm4b:s1+s4], $0x80, v4, vm0, $0xb8;
	[tilespmem:$0x1F000] =	vst v63  }
0x2a: {  	s13 =	simm.s32 $0xB800  }
0x2b: {  	[tilespmem:s13], [sflag:$0x1] =	stream.indirect_vreg.gather [hbm4b:s8+s4], $0x80, v4, vm0, $0xb8;
	[tilespmem:$0x1F000] =	vst v63  }
0x2c: {  	s14 =	simm.s32 $0xC000  }
0x2d: {  	[tilespmem:s14], [sflag:$0x1] =	stream.indirect_vreg.gather [hbm4b:s1+s4], $0x80, v3, vm0, $0xb8;
	[tilespmem:$0x1F000] =	vst v63  }
0x2e: {  	s15 =	simm.s32 $0xC800  }
0x2f: {  	[tilespmem:s15], [sflag:$0x1] =	stream.indirect_vreg.gather [hbm4b:s8+s4], $0x80, v3, vm0, $0xb8;
	[tilespmem:$0x1F000] =	vst v63  }
0x30: {  	v3 =	vld [tilespmem:$0x10];
	_ =	sdelay $0x4  }
0x31: {  	v60 =	vshll.u32 v3, $0x2  }
0x32: {  	v3 =	vand.u32 $0x7, v3;
	v4 =	vand.u32 $0xFFFFFFE0, v60  }
0x33: {  	v3 =	vor.u32 v3, v4  }
0x34: {  	v4 =	vperm.xlane v3, v0;
	_ =	sdelay $0x1  }
0x35: {  	v4 =	vadd.s32 v1, v4;
	_ =	sdelay $0x1  }
0x36: {  	v3 =	vperm.xlane v3, v2;
	_ =	sdelay $0x1  }
0x37: {  	v3 =	vadd.s32 v1, v3  }
0x38: {  	[tilespmem:s16], [sflag:$0x1] =	stream.indirect_vreg.gather [hbm4b:s1+s4], $0x80, v4, vm0, $0xb8;
	[tilespmem:$0x1F000] =	vst v63  }
0x39: {  	_ = 	snop  }
0x3a: {  	[tilespmem:s17], [sflag:$0x1] =	stream.indirect_vreg.gather [hbm4b:s8+s4], $0x80, v4, vm0, $0xb8;
	[tilespmem:$0x1F000] =	vst v63  }
0x3b: {  	_ = 	snop  }
0x3c: {  	[tilespmem:s18], [sflag:$0x1] =	stream.indirect_vreg.gather [hbm4b:s1+s4], $0x80, v3, vm0, $0xb8;
	[tilespmem:$0x1F000] =	vst v63  }
0x3d: {  	_ = 	snop  }
0x3e: {  	[tilespmem:s19], [sflag:$0x1] =	stream.indirect_vreg.gather [hbm4b:s8+s4], $0x80, v3, vm0, $0xb8;
	[tilespmem:$0x1F000] =	vst v63  }
0x3f: {  	v3 =	vld [tilespmem:$0x20];
	_ =	sdelay $0x4  }
0x40: {  	v61 =	vshll.u32 v3, $0x2  }
0x41: {  	v3 =	vand.u32 $0x7, v3;
	v4 =	vand.u32 $0xFFFFFFE0, v61  }
0x42: {  	v3 =	vor.u32 v3, v4  }
0x43: {  	v4 =	vperm.xlane v3, v0;
	_ =	sdelay $0x1  }
0x44: {  	v4 =	vadd.s32 v1, v4;
	_ =	sdelay $0x1  }
0x45: {  	v3 =	vperm.xlane v3, v2;
	_ =	sdelay $0x1  }
0x46: {  	v3 =	vadd.s32 v1, v3  }
0x47: {  	[tilespmem:s20], [sflag:$0x1] =	stream.indirect_vreg.gather [hbm4b:s1+s4], $0x80, v4, vm0, $0xb8;
	[tilespmem:$0x1F000] =	vst v63  }
0x48: {  	_ = 	snop  }
0x49: {  	[tilespmem:s21], [sflag:$0x1] =	stream.indirect_vreg.gather [hbm4b:s8+s4], $0x80, v4, vm0, $0xb8;
	[tilespmem:$0x1F000] =	vst v63  }
0x4a: {  	_ = 	snop  }
0x4b: {  	[tilespmem:s22], [sflag:$0x1] =	stream.indirect_vreg.gather [hbm4b:s1+s4], $0x80, v3, vm0, $0xb8;
	[tilespmem:$0x1F000] =	vst v63  }
0x4c: {  	_ = 	snop  }
0x4d: {  	[tilespmem:s23], [sflag:$0x1] =	stream.indirect_vreg.gather [hbm4b:s8+s4], $0x80, v3, vm0, $0xb8;
	[tilespmem:$0x1F000] =	vst v63  }
0x4e: {  	v3 =	vld [tilespmem:$0x30];
	_ =	sdelay $0x4  }
0x4f: {  	v62 =	vshll.u32 v3, $0x2  }
0x50: {  	v3 =	vand.u32 $0x7, v3;
	v4 =	vand.u32 $0xFFFFFFE0, v62  }
0x51: {  	v3 =	vor.u32 v3, v4  }
0x52: {  	v4 =	vperm.xlane v3, v0;
	_ =	sdelay $0x1  }
0x53: {  	v4 =	vadd.s32 v1, v4;
	_ =	sdelay $0x1  }
0x54: {  	v3 =	vperm.xlane v3, v2;
	_ =	sdelay $0x1  }
0x55: {  	v3 =	vadd.s32 v1, v3  }
0x56: {  	[tilespmem:s24], [sflag:$0x1] =	stream.indirect_vreg.gather [hbm4b:s1+s4], $0x80, v4, vm0, $0xb8;
	[tilespmem:$0x1F000] =	vst v63  }
0x57: {  	_ = 	snop  }
0x58: {  	[tilespmem:s25], [sflag:$0x1] =	stream.indirect_vreg.gather [hbm4b:s8+s4], $0x80, v4, vm0, $0xb8;
	[tilespmem:$0x1F000] =	vst v63  }
0x59: {  	_ = 	snop  }
0x5a: {  	[tilespmem:s26], [sflag:$0x1] =	stream.indirect_vreg.gather [hbm4b:s1+s4], $0x80, v3, vm0, $0xb8;
	[tilespmem:$0x1F000] =	vst v63  }
0x5b: {  	_ = 	snop  }
0x5c: {  	[tilespmem:s28], [sflag:$0x1] =	stream.indirect_vreg.gather [hbm4b:s8+s4], $0x80, v3, vm0, $0xb8;
	[tilespmem:$0x1F000] =	vst v63  }
0x5d: {  	v3 =	vld [tilespmem:$0x40];
	_ =	sdelay $0x4  }
0x5e: {  	v63 =	vshll.u32 v3, $0x2  }
0x5f: {  	v3 =	vand.u32 $0x7, v3;
	v4 =	vand.u32 $0xFFFFFFE0, v63  }
0x60: {  	v3 =	vor.u32 v3, v4  }
0x61: {  	v4 =	vperm.xlane v3, v0;
	_ =	sdelay $0x1  }
0x62: {  	v4 =	vadd.s32 v1, v4;
	_ =	sdelay $0x2  }
0x63: {  	v3 =	vperm.xlane v3, v2;
	_ =	sdelay $0x1  }
0x64: {  	v3 =	vadd.s32 v1, v3;
	[tilespmem:s29], [sflag:$0x1] =	stream.indirect_vreg.gather [hbm4b:s1+s4], $0x80, v4, vm0, $0xb8;
	[tilespmem:$0x1F000] =	vst v63  }
0x65: {  	_ = 	snop  }
0x66: {  	[tilespmem:s30], [sflag:$0x1] =	stream.indirect_vreg.gather [hbm4b:s8+s4], $0x80, v4, vm0, $0xb8;
	[tilespmem:$0x1F000] =	vst v63  }
.Ltmp2:
0x67: {  	_ = 	snop;
	(pc) =	sbr.rel .LBB2_2-.Ltmp2, $4  }
0x68: {  	_ = 	snop  }
0x69: {  	[tilespmem:s31], [sflag:$0x1] =	stream.indirect_vreg.gather [hbm4b:s1+s4], $0x80, v3, vm0, $0xb8;
	[tilespmem:$0x1F000] =	vst v63  }
0x6a: {  	s9 =	simm.s32 $0x0  }
0x6b: {  	[tilespmem:s0], [sflag:$0x1] =	stream.indirect_vreg.gather [hbm4b:s8+s4], $0x80, v3, vm0, $0xb8;
	[tilespmem:$0x1F000] =	vst v63  }
.LBB2_6:
0x6c: {  	s7 =	sadd.s32 s6, s7  }
0x6d: {  	s7 =	smul.u32 $0x1400, s7  }
0x6e: {  	p0 =	sne.s32 s9, $0x20  }
.Ltmp3:
0x6f: {  	s7 =	sadd.s32 s5, s7;
	(pc) =	sbr.rel @!p0 .LBB2_7-.Ltmp3, $4  }
0x70: {  	[hbm4b:s7+s4] =	stream.linear.scatter [tilespmem:s2], [sflag:$0x2], $0xA000, $0x38;
	[tilespmem:$0x1F000] =	vst v63  }
0x71: {  	_ =	swait.ge [sflag:s10], $0xA000  }
0x72: {  	[sflag:s10] =	ssyncset.done $0x0  }
0x73: {  	[sflag:s10] =	ssyncadd.s32 $0xFFFF6000  }
.LBB2_2:
0x74: {  	_ =	swait.ge [sflag:s3], $0xA000  }
0x75: {  	s7 =	smov.u32 s9;
	[sflag:s3] =	ssyncset.done $0x0  }
0x76: {  	s9 =	simm.s32 $0x0;
	s11 =	simm.s32 $0x0;
	[sflag:s3] =	ssyncadd.s32 $0xFFFF6000  }
.LBB2_3:
0x77: {  	s12 =	sand.u32 $0x70, s11;
	s13 =	sand.u32 $0xC00, s9  }
0x78: {  	s12 =	sor.u32 s12, s13  }
0x79: {  	v3 =	vld [tilespmem:s12+$0xB000]  }
0x7a: {  	v4 =	vld [tilespmem:s12+$0x1000]  }
0x7b: {  	v5 =	vld [tilespmem:s12+$0xB080]  }
0x7c: {  	v6 =	vld [tilespmem:s12+$0x1080]  }
0x7d: {  	v7 =	vld [tilespmem:s12+$0xB100]  }
0x7e: {  	v8 =	vld [tilespmem:s12+$0x1100];
	_ =	sdelay $0x2  }
0x7f: {  	v3 =	vadd.f32 v4, v3  }
0x80: {  	v58 =	vadd.f32 v6, v5  }
0x81: {  	s15 =	sand.u32 $0xFFFFFC00, s9;
	[tilespmem:s12+$0x15000] =	vst v3;
	v3 =	vadd.f32 v8, v7  }
0x82: {  	s13 =	sadd.s32 s15, s11;
	[tilespmem:s12+$0x15080] =	vst v58  }
0x83: {  	s14 =	sor.u32 $0x180, s13;
	[tilespmem:s12+$0x15100] =	vst v3  }
0x84: {  	v3 =	vld [tilespmem:s14+$0xB000]  }
0x85: {  	v4 =	vld [tilespmem:s14+$0x1000];
	_ =	sdelay $0x4  }
0x86: {  	v3 =	vadd.f32 v4, v3;
	_ =	sdelay $0x1  }
0x87: {  	[tilespmem:s14+$0x15000] =	vst v3  }
0x88: {  	v3 =	vld [tilespmem:s12+$0xB200]  }
0x89: {  	v59 =	vld [tilespmem:s12+$0x1200]  }
0x8a: {  	v60 =	vld [tilespmem:s12+$0xB280]  }
0x8b: {  	v61 =	vld [tilespmem:s12+$0x1280]  }
0x8c: {  	v62 =	vld [tilespmem:s12+$0xB300]  }
0x8d: {  	v63 =	vld [tilespmem:s12+$0x1300];
	_ =	sdelay $0x2  }
0x8e: {  	v3 =	vadd.f32 v59, v3  }
0x8f: {  	v12 =	vadd.f32 v61, v60  }
0x90: {  	[tilespmem:s12+$0x15200] =	vst v3;
	v3 =	vadd.f32 v63, v62  }
0x91: {  	s14 =	sor.u32 s11, s9;
	[tilespmem:s12+$0x15280] =	vst v12  }
0x92: {  	s15 =	sor.u32 $0x380, s14;
	[tilespmem:s12+$0x15300] =	vst v3  }
0x93: {  	v3 =	vld [tilespmem:s15+$0xB000]  }
0x94: {  	v4 =	vld [tilespmem:s15+$0x1000];
	_ =	sdelay $0x4  }
0x95: {  	v3 =	vadd.f32 v4, v3;
	_ =	sdelay $0x1  }
0x96: {  	[tilespmem:s15+$0x15000] =	vst v3  }
0x97: {  	v3 =	vld [tilespmem:s12+$0xC000]  }
0x98: {  	v13 =	vld [tilespmem:s12+$0x2000]  }
0x99: {  	v14 =	vld [tilespmem:s12+$0xC080]  }
0x9a: {  	v15 =	vld [tilespmem:s12+$0x2080]  }
0x9b: {  	v16 =	vld [tilespmem:s12+$0xC100]  }
0x9c: {  	v17 =	vld [tilespmem:s12+$0x2100];
	_ =	sdelay $0x2  }
0x9d: {  	v3 =	vadd.f32 v13, v3  }
0x9e: {  	v18 =	vadd.f32 v15, v14  }
0x9f: {  	[tilespmem:s12+$0x16000] =	vst v3;
	v3 =	vadd.f32 v17, v16  }
0xa0: {  	[tilespmem:s12+$0x16080] =	vst v18  }
0xa1: {  	s15 =	sor.u32 $0x1180, s13;
	[tilespmem:s12+$0x16100] =	vst v3  }
0xa2: {  	v3 =	vld [tilespmem:s15+$0xB000]  }
0xa3: {  	v4 =	vld [tilespmem:s15+$0x1000];
	_ =	sdelay $0x4  }
0xa4: {  	v3 =	vadd.f32 v4, v3;
	_ =	sdelay $0x1  }
0xa5: {  	[tilespmem:s15+$0x15000] =	vst v3  }
0xa6: {  	v3 =	vld [tilespmem:s12+$0xC200]  }
0xa7: {  	v19 =	vld [tilespmem:s12+$0x2200]  }
0xa8: {  	v20 =	vld [tilespmem:s12+$0xC280]  }
0xa9: {  	v21 =	vld [tilespmem:s12+$0x2280]  }
0xaa: {  	v22 =	vld [tilespmem:s12+$0xC300]  }
0xab: {  	v23 =	vld [tilespmem:s12+$0x2300];
	_ =	sdelay $0x2  }
0xac: {  	v3 =	vadd.f32 v19, v3  }
0xad: {  	v24 =	vadd.f32 v21, v20  }
0xae: {  	[tilespmem:s12+$0x16200] =	vst v3;
	v3 =	vadd.f32 v23, v22  }
0xaf: {  	[tilespmem:s12+$0x16280] =	vst v24  }
0xb0: {  	s15 =	sor.u32 $0x1380, s14;
	[tilespmem:s12+$0x16300] =	vst v3  }
0xb1: {  	v3 =	vld [tilespmem:s15+$0xB000]  }
0xb2: {  	v4 =	vld [tilespmem:s15+$0x1000];
	_ =	sdelay $0x4  }
0xb3: {  	v3 =	vadd.f32 v4, v3;
	_ =	sdelay $0x1  }
0xb4: {  	[tilespmem:s15+$0x15000] =	vst v3  }
0xb5: {  	v3 =	vld [tilespmem:s12+$0xD000]  }
0xb6: {  	v25 =	vld [tilespmem:s12+$0x3000]  }
0xb7: {  	v26 =	vld [tilespmem:s12+$0xD080]  }
0xb8: {  	v27 =	vld [tilespmem:s12+$0x3080]  }
0xb9: {  	v28 =	vld [tilespmem:s12+$0xD100]  }
0xba: {  	v29 =	vld [tilespmem:s12+$0x3100];
	_ =	sdelay $0x2  }
0xbb: {  	v3 =	vadd.f32 v25, v3  }
0xbc: {  	v30 =	vadd.f32 v27, v26  }
0xbd: {  	[tilespmem:s12+$0x17000] =	vst v3;
	v3 =	vadd.f32 v29, v28  }
0xbe: {  	[tilespmem:s12+$0x17080] =	vst v30  }
0xbf: {  	s15 =	sor.u32 $0x2180, s13;
	[tilespmem:s12+$0x17100] =	vst v3  }
0xc0: {  	v3 =	vld [tilespmem:s15+$0xB000]  }
0xc1: {  	v4 =	vld [tilespmem:s15+$0x1000];
	_ =	sdelay $0x4  }
0xc2: {  	v3 =	vadd.f32 v4, v3;
	_ =	sdelay $0x1  }
0xc3: {  	[tilespmem:s15+$0x15000] =	vst v3  }
0xc4: {  	v3 =	vld [tilespmem:s12+$0xD200]  }
0xc5: {  	v31 =	vld [tilespmem:s12+$0x3200]  }
0xc6: {  	v32 =	vld [tilespmem:s12+$0xD280]  }
0xc7: {  	v33 =	vld [tilespmem:s12+$0x3280]  }
0xc8: {  	v34 =	vld [tilespmem:s12+$0xD300]  }
0xc9: {  	v35 =	vld [tilespmem:s12+$0x3300];
	_ =	sdelay $0x2  }
0xca: {  	v3 =	vadd.f32 v31, v3  }
0xcb: {  	v36 =	vadd.f32 v33, v32  }
0xcc: {  	[tilespmem:s12+$0x17200] =	vst v3;
	v3 =	vadd.f32 v35, v34  }
0xcd: {  	[tilespmem:s12+$0x17280] =	vst v36  }
0xce: {  	s15 =	sor.u32 $0x2380, s14;
	[tilespmem:s12+$0x17300] =	vst v3  }
0xcf: {  	v3 =	vld [tilespmem:s15+$0xB000]  }
0xd0: {  	v4 =	vld [tilespmem:s15+$0x1000];
	_ =	sdelay $0x4  }
0xd1: {  	v3 =	vadd.f32 v4, v3;
	_ =	sdelay $0x1  }
0xd2: {  	[tilespmem:s15+$0x15000] =	vst v3  }
0xd3: {  	v3 =	vld [tilespmem:s12+$0xE000]  }
0xd4: {  	v37 =	vld [tilespmem:s12+$0x4000]  }
0xd5: {  	v38 =	vld [tilespmem:s12+$0xE080]  }
0xd6: {  	v39 =	vld [tilespmem:s12+$0x4080]  }
0xd7: {  	v40 =	vld [tilespmem:s12+$0xE100]  }
0xd8: {  	v41 =	vld [tilespmem:s12+$0x4100];
	_ =	sdelay $0x2  }
0xd9: {  	v3 =	vadd.f32 v37, v3  }
0xda: {  	v42 =	vadd.f32 v39, v38  }
0xdb: {  	[tilespmem:s12+$0x18000] =	vst v3;
	v3 =	vadd.f32 v41, v40  }
0xdc: {  	[tilespmem:s12+$0x18080] =	vst v42  }
0xdd: {  	s15 =	sor.u32 $0x3180, s13;
	[tilespmem:s12+$0x18100] =	vst v3  }
0xde: {  	v3 =	vld [tilespmem:s15+$0xB000]  }
0xdf: {  	v4 =	vld [tilespmem:s15+$0x1000];
	_ =	sdelay $0x4  }
0xe0: {  	v3 =	vadd.f32 v4, v3;
	_ =	sdelay $0x1  }
0xe1: {  	[tilespmem:s15+$0x15000] =	vst v3  }
0xe2: {  	v3 =	vld [tilespmem:s12+$0xE200]  }
0xe3: {  	v43 =	vld [tilespmem:s12+$0x4200]  }
0xe4: {  	v44 =	vld [tilespmem:s12+$0xE280]  }
0xe5: {  	v45 =	vld [tilespmem:s12+$0x4280]  }
0xe6: {  	v46 =	vld [tilespmem:s12+$0xE300]  }
0xe7: {  	v47 =	vld [tilespmem:s12+$0x4300];
	_ =	sdelay $0x2  }
0xe8: {  	v3 =	vadd.f32 v43, v3  }
0xe9: {  	v48 =	vadd.f32 v45, v44  }
0xea: {  	[tilespmem:s12+$0x18200] =	vst v3;
	v3 =	vadd.f32 v47, v46  }
0xeb: {  	[tilespmem:s12+$0x18280] =	vst v48  }
0xec: {  	s15 =	sor.u32 $0x3380, s14;
	[tilespmem:s12+$0x18300] =	vst v3  }
0xed: {  	v3 =	vld [tilespmem:s15+$0xB000]  }
0xee: {  	v4 =	vld [tilespmem:s15+$0x1000];
	_ =	sdelay $0x4  }
0xef: {  	v3 =	vadd.f32 v4, v3;
	_ =	sdelay $0x1  }
0xf0: {  	[tilespmem:s15+$0x15000] =	vst v3  }
0xf1: {  	v3 =	vld [tilespmem:s12+$0xF000]  }
0xf2: {  	v49 =	vld [tilespmem:s12+$0x5000]  }
0xf3: {  	v50 =	vld [tilespmem:s12+$0xF080]  }
0xf4: {  	v51 =	vld [tilespmem:s12+$0x5080]  }
0xf5: {  	v52 =	vld [tilespmem:s12+$0xF100]  }
0xf6: {  	v53 =	vld [tilespmem:s12+$0x5100];
	_ =	sdelay $0x2  }
0xf7: {  	v3 =	vadd.f32 v49, v3  }
0xf8: {  	v54 =	vadd.f32 v51, v50  }
0xf9: {  	[tilespmem:s12+$0x19000] =	vst v3;
	v3 =	vadd.f32 v53, v52  }
0xfa: {  	[tilespmem:s12+$0x19080] =	vst v54  }
0xfb: {  	s15 =	sor.u32 $0x4180, s13;
	[tilespmem:s12+$0x19100] =	vst v3  }
0xfc: {  	v3 =	vld [tilespmem:s15+$0xB000]  }
0xfd: {  	v4 =	vld [tilespmem:s15+$0x1000];
	_ =	sdelay $0x4  }
0xfe: {  	v3 =	vadd.f32 v4, v3;
	_ =	sdelay $0x1  }
0xff: {  	[tilespmem:s15+$0x15000] =	vst v3  }
0x100: {  	v3 =	vld [tilespmem:s12+$0xF200]  }
0x101: {  	v55 =	vld [tilespmem:s12+$0x5200]  }
0x102: {  	v56 =	vld [tilespmem:s12+$0xF280]  }
0x103: {  	v57 =	vld [tilespmem:s12+$0x5280]  }
0x104: {  	v58 =	vld [tilespmem:s12+$0xF300]  }
0x105: {  	v59 =	vld [tilespmem:s12+$0x5300];
	_ =	sdelay $0x2  }
0x106: {  	v3 =	vadd.f32 v55, v3  }
0x107: {  	v60 =	vadd.f32 v57, v56  }
0x108: {  	[tilespmem:s12+$0x19200] =	vst v3;
	v3 =	vadd.f32 v59, v58  }
0x109: {  	[tilespmem:s12+$0x19280] =	vst v60  }
0x10a: {  	s15 =	sor.u32 $0x4380, s14;
	[tilespmem:s12+$0x19300] =	vst v3  }
0x10b: {  	v3 =	vld [tilespmem:s15+$0xB000]  }
0x10c: {  	v4 =	vld [tilespmem:s15+$0x1000];
	_ =	sdelay $0x4  }
0x10d: {  	v3 =	vadd.f32 v4, v3;
	_ =	sdelay $0x1  }
0x10e: {  	[tilespmem:s15+$0x15000] =	vst v3  }
0x10f: {  	v3 =	vld [tilespmem:s12+$0x10000]  }
0x110: {  	v61 =	vld [tilespmem:s12+$0x6000]  }
0x111: {  	v62 =	vld [tilespmem:s12+$0x10080]  }
0x112: {  	v63 =	vld [tilespmem:s12+$0x6080]  }
0x113: {  	v12 =	vld [tilespmem:s12+$0x10100]  }
0x114: {  	v13 =	vld [tilespmem:s12+$0x6100];
	_ =	sdelay $0x2  }
0x115: {  	v3 =	vadd.f32 v61, v3  }
0x116: {  	v14 =	vadd.f32 v63, v62  }
0x117: {  	[tilespmem:s12+$0x1A000] =	vst v3;
	v3 =	vadd.f32 v13, v12  }
0x118: {  	[tilespmem:s12+$0x1A080] =	vst v14  }
0x119: {  	s15 =	sor.u32 $0x5180, s13;
	[tilespmem:s12+$0x1A100] =	vst v3  }
0x11a: {  	v3 =	vld [tilespmem:s15+$0xB000]  }
0x11b: {  	v4 =	vld [tilespmem:s15+$0x1000];
	_ =	sdelay $0x4  }
0x11c: {  	v3 =	vadd.f32 v4, v3;
	_ =	sdelay $0x1  }
0x11d: {  	[tilespmem:s15+$0x15000] =	vst v3  }
0x11e: {  	v3 =	vld [tilespmem:s12+$0x10200]  }
0x11f: {  	v15 =	vld [tilespmem:s12+$0x6200]  }
0x120: {  	v16 =	vld [tilespmem:s12+$0x10280]  }
0x121: {  	v17 =	vld [tilespmem:s12+$0x6280]  }
0x122: {  	v18 =	vld [tilespmem:s12+$0x10300]  }
0x123: {  	v19 =	vld [tilespmem:s12+$0x6300];
	_ =	sdelay $0x2  }
0x124: {  	v3 =	vadd.f32 v15, v3  }
0x125: {  	v20 =	vadd.f32 v17, v16  }
0x126: {  	[tilespmem:s12+$0x1A200] =	vst v3;
	v3 =	vadd.f32 v19, v18  }
0x127: {  	[tilespmem:s12+$0x1A280] =	vst v20  }
0x128: {  	s15 =	sor.u32 $0x5380, s14;
	[tilespmem:s12+$0x1A300] =	vst v3  }
0x129: {  	v3 =	vld [tilespmem:s15+$0xB000]  }
0x12a: {  	v4 =	vld [tilespmem:s15+$0x1000];
	_ =	sdelay $0x4  }
0x12b: {  	v3 =	vadd.f32 v4, v3;
	_ =	sdelay $0x1  }
0x12c: {  	[tilespmem:s15+$0x15000] =	vst v3  }
0x12d: {  	v3 =	vld [tilespmem:s12+$0x11000]  }
0x12e: {  	v21 =	vld [tilespmem:s12+$0x7000]  }
0x12f: {  	v22 =	vld [tilespmem:s12+$0x11080]  }
0x130: {  	v23 =	vld [tilespmem:s12+$0x7080]  }
0x131: {  	v24 =	vld [tilespmem:s12+$0x11100]  }
0x132: {  	v25 =	vld [tilespmem:s12+$0x7100];
	_ =	sdelay $0x2  }
0x133: {  	v3 =	vadd.f32 v21, v3  }
0x134: {  	v26 =	vadd.f32 v23, v22  }
0x135: {  	[tilespmem:s12+$0x1B000] =	vst v3;
	v3 =	vadd.f32 v25, v24  }
0x136: {  	[tilespmem:s12+$0x1B080] =	vst v26  }
0x137: {  	s15 =	sor.u32 $0x6180, s13;
	[tilespmem:s12+$0x1B100] =	vst v3  }
0x138: {  	v3 =	vld [tilespmem:s15+$0xB000]  }
0x139: {  	v4 =	vld [tilespmem:s15+$0x1000];
	_ =	sdelay $0x4  }
0x13a: {  	v3 =	vadd.f32 v4, v3;
	_ =	sdelay $0x1  }
0x13b: {  	[tilespmem:s15+$0x15000] =	vst v3  }
0x13c: {  	v3 =	vld [tilespmem:s12+$0x11200]  }
0x13d: {  	v27 =	vld [tilespmem:s12+$0x7200]  }
0x13e: {  	v28 =	vld [tilespmem:s12+$0x11280]  }
0x13f: {  	v29 =	vld [tilespmem:s12+$0x7280]  }
0x140: {  	v30 =	vld [tilespmem:s12+$0x11300]  }
0x141: {  	v31 =	vld [tilespmem:s12+$0x7300];
	_ =	sdelay $0x2  }
0x142: {  	v3 =	vadd.f32 v27, v3  }
0x143: {  	v32 =	vadd.f32 v29, v28  }
0x144: {  	[tilespmem:s12+$0x1B200] =	vst v3;
	v3 =	vadd.f32 v31, v30  }
0x145: {  	[tilespmem:s12+$0x1B280] =	vst v32  }
0x146: {  	s15 =	sor.u32 $0x6380, s14;
	[tilespmem:s12+$0x1B300] =	vst v3  }
0x147: {  	v3 =	vld [tilespmem:s15+$0xB000]  }
0x148: {  	v4 =	vld [tilespmem:s15+$0x1000];
	_ =	sdelay $0x4  }
0x149: {  	v3 =	vadd.f32 v4, v3;
	_ =	sdelay $0x1  }
0x14a: {  	[tilespmem:s15+$0x15000] =	vst v3  }
0x14b: {  	v3 =	vld [tilespmem:s12+$0x12000]  }
0x14c: {  	v33 =	vld [tilespmem:s12+$0x8000]  }
0x14d: {  	v34 =	vld [tilespmem:s12+$0x12080]  }
0x14e: {  	v35 =	vld [tilespmem:s12+$0x8080]  }
0x14f: {  	v36 =	vld [tilespmem:s12+$0x12100]  }
0x150: {  	v37 =	vld [tilespmem:s12+$0x8100];
	_ =	sdelay $0x2  }
0x151: {  	v3 =	vadd.f32 v33, v3  }
0x152: {  	v38 =	vadd.f32 v35, v34  }
0x153: {  	[tilespmem:s12+$0x1C000] =	vst v3;
	v3 =	vadd.f32 v37, v36  }
0x154: {  	[tilespmem:s12+$0x1C080] =	vst v38  }
0x155: {  	s15 =	sor.u32 $0x7180, s13;
	[tilespmem:s12+$0x1C100] =	vst v3  }
0x156: {  	v3 =	vld [tilespmem:s15+$0xB000]  }
0x157: {  	v4 =	vld [tilespmem:s15+$0x1000];
	_ =	sdelay $0x4  }
0x158: {  	v3 =	vadd.f32 v4, v3;
	_ =	sdelay $0x1  }
0x159: {  	[tilespmem:s15+$0x15000] =	vst v3  }
0x15a: {  	v3 =	vld [tilespmem:s12+$0x12200]  }
0x15b: {  	v39 =	vld [tilespmem:s12+$0x8200]  }
0x15c: {  	v40 =	vld [tilespmem:s12+$0x12280]  }
0x15d: {  	v41 =	vld [tilespmem:s12+$0x8280]  }
0x15e: {  	v42 =	vld [tilespmem:s12+$0x12300]  }
0x15f: {  	v43 =	vld [tilespmem:s12+$0x8300];
	_ =	sdelay $0x2  }
0x160: {  	v3 =	vadd.f32 v39, v3  }
0x161: {  	v44 =	vadd.f32 v41, v40  }
0x162: {  	[tilespmem:s12+$0x1C200] =	vst v3;
	v3 =	vadd.f32 v43, v42  }
0x163: {  	[tilespmem:s12+$0x1C280] =	vst v44  }
0x164: {  	s15 =	sor.u32 $0x7380, s14;
	[tilespmem:s12+$0x1C300] =	vst v3  }
0x165: {  	v3 =	vld [tilespmem:s15+$0xB000]  }
0x166: {  	v4 =	vld [tilespmem:s15+$0x1000];
	_ =	sdelay $0x4  }
0x167: {  	v3 =	vadd.f32 v4, v3;
	_ =	sdelay $0x1  }
0x168: {  	[tilespmem:s15+$0x15000] =	vst v3  }
0x169: {  	v3 =	vld [tilespmem:s12+$0x13000]  }
0x16a: {  	v45 =	vld [tilespmem:s12+$0x9000]  }
0x16b: {  	v46 =	vld [tilespmem:s12+$0x13080]  }
0x16c: {  	v47 =	vld [tilespmem:s12+$0x9080]  }
0x16d: {  	v48 =	vld [tilespmem:s12+$0x13100]  }
0x16e: {  	v49 =	vld [tilespmem:s12+$0x9100];
	_ =	sdelay $0x2  }
0x16f: {  	v3 =	vadd.f32 v45, v3  }
0x170: {  	v50 =	vadd.f32 v47, v46  }
0x171: {  	[tilespmem:s12+$0x1D000] =	vst v3;
	v3 =	vadd.f32 v49, v48  }
0x172: {  	[tilespmem:s12+$0x1D080] =	vst v50  }
0x173: {  	s15 =	sor.u32 $0x8180, s13;
	[tilespmem:s12+$0x1D100] =	vst v3  }
0x174: {  	v3 =	vld [tilespmem:s15+$0xB000]  }
0x175: {  	v4 =	vld [tilespmem:s15+$0x1000];
	_ =	sdelay $0x4  }
0x176: {  	v3 =	vadd.f32 v4, v3;
	_ =	sdelay $0x1  }
0x177: {  	[tilespmem:s15+$0x15000] =	vst v3  }
0x178: {  	v3 =	vld [tilespmem:s12+$0x13200]  }
0x179: {  	v51 =	vld [tilespmem:s12+$0x9200]  }
0x17a: {  	v52 =	vld [tilespmem:s12+$0x13280]  }
0x17b: {  	v53 =	vld [tilespmem:s12+$0x9280]  }
0x17c: {  	v54 =	vld [tilespmem:s12+$0x13300]  }
0x17d: {  	v55 =	vld [tilespmem:s12+$0x9300];
	_ =	sdelay $0x2  }
0x17e: {  	v3 =	vadd.f32 v51, v3  }
0x17f: {  	v56 =	vadd.f32 v53, v52  }
0x180: {  	[tilespmem:s12+$0x1D200] =	vst v3;
	v3 =	vadd.f32 v55, v54  }
0x181: {  	[tilespmem:s12+$0x1D280] =	vst v56  }
0x182: {  	s14 =	sor.u32 $0x8380, s14;
	[tilespmem:s12+$0x1D300] =	vst v3  }
0x183: {  	v3 =	vld [tilespmem:s14+$0xB000]  }
0x184: {  	v4 =	vld [tilespmem:s14+$0x1000];
	_ =	sdelay $0x4  }
0x185: {  	v3 =	vadd.f32 v4, v3;
	_ =	sdelay $0x1  }
0x186: {  	[tilespmem:s14+$0x15000] =	vst v3  }
0x187: {  	v3 =	vld [tilespmem:s12+$0x14000]  }
0x188: {  	v57 =	vld [tilespmem:s12+$0xA000]  }
0x189: {  	v58 =	vld [tilespmem:s12+$0x14080]  }
0x18a: {  	v59 =	vld [tilespmem:s12+$0xA080]  }
0x18b: {  	v60 =	vld [tilespmem:s12+$0x14100]  }
0x18c: {  	v61 =	vld [tilespmem:s12+$0xA100];
	_ =	sdelay $0x2  }
0x18d: {  	v3 =	vadd.f32 v57, v3  }
0x18e: {  	v62 =	vadd.f32 v59, v58  }
0x18f: {  	[tilespmem:s12+$0x1E000] =	vst v3;
	v3 =	vadd.f32 v61, v60  }
0x190: {  	[tilespmem:s12+$0x1E080] =	vst v62  }
0x191: {  	s13 =	sor.u32 $0x9180, s13;
	[tilespmem:s12+$0x1E100] =	vst v3  }
0x192: {  	v3 =	vld [tilespmem:s13+$0xB000]  }
0x193: {  	v4 =	vld [tilespmem:s13+$0x1000];
	_ =	sdelay $0x4  }
0x194: {  	v3 =	vadd.f32 v4, v3;
	_ =	sdelay $0x1  }
0x195: {  	[tilespmem:s13+$0x15000] =	vst v3  }
0x196: {  	v3 =	vld [tilespmem:s12+$0x14200]  }
0x197: {  	v63 =	vld [tilespmem:s12+$0xA200];
	_ =	sdelay $0x1  }
0x198: {  	p0 =	sne.s32 s11, $0x1F0  }
.Ltmp4:
0x199: {  	_ = 	snop;
	(pc) =	sbr.rel @p0 .LBB2_3-.Ltmp4, $3  }
0x19a: {  	_ = 	snop  }
0x19b: {  	v3 =	vadd.f32 v63, v3;
	_ =	sdelay $0x1  }
0x19c: {  	s9 =	sadd.s32 $0x80, s9;
	s11 =	sadd.s32 $0x10, s11;
	[tilespmem:s12+$0x1E200] =	vst v3  }
0x19d: {  	p0 =	seq.s32 s7, $0x1F  }
.Ltmp5:
0x19e: {  	_ = 	snop;
	(pc) =	sbr.rel @p0 .LBB2_6-.Ltmp5, $2  }
0x19f: {  	_ =	sdelay $0x2  }
0x1a0: {  	s9 =	sadd.s32 $0x1, s7  }
0x1a1: {  	s11 =	sshll.u32 s9, $0x7  }
0x1a2: {  	s11 =	sand.u32 $0x3FFFFF80, s11  }
0x1a3: {  	v3 =	vld [tilespmem:s11+$0x0];
	_ =	sdelay $0x4  }
0x1a4: {  	v4 =	vshll.u32 v3, $0x2  }
0x1a5: {  	v3 =	vand.u32 $0x7, v3;
	v4 =	vand.u32 $0xFFFFFFE0, v4  }
0x1a6: {  	v3 =	vor.u32 v3, v4  }
0x1a7: {  	v4 =	vperm.xlane v3, v0;
	_ =	sdelay $0x1  }
0x1a8: {  	v4 =	vadd.s32 v1, v4;
	_ =	sdelay $0x1  }
0x1a9: {  	v3 =	vperm.xlane v3, v2;
	_ =	sdelay $0x1  }
0x1aa: {  	s12 =	simm.s32 $0xB000;
	v3 =	vadd.s32 v1, v3  }
0x1ab: {  	[tilespmem:s12], [sflag:$0x1] =	stream.indirect_vreg.gather [hbm4b:s1+s4], $0x80, v4, vm0, $0xb8;
	[tilespmem:$0x1F000] =	vst v63  }
0x1ac: {  	s13 =	simm.s32 $0xB800  }
0x1ad: {  	[tilespmem:s13], [sflag:$0x1] =	stream.indirect_vreg.gather [hbm4b:s8+s4], $0x80, v4, vm0, $0xb8;
	[tilespmem:$0x1F000] =	vst v63  }
0x1ae: {  	s14 =	simm.s32 $0xC000  }
0x1af: {  	[tilespmem:s14], [sflag:$0x1] =	stream.indirect_vreg.gather [hbm4b:s1+s4], $0x80, v3, vm0, $0xb8;
	[tilespmem:$0x1F000] =	vst v63  }
0x1b0: {  	s15 =	simm.s32 $0xC800  }
0x1b1: {  	[tilespmem:s15], [sflag:$0x1] =	stream.indirect_vreg.gather [hbm4b:s8+s4], $0x80, v3, vm0, $0xb8;
	[tilespmem:$0x1F000] =	vst v63  }
0x1b2: {  	v3 =	vld [tilespmem:s11+$0x10];
	_ =	sdelay $0x4  }
0x1b3: {  	v60 =	vshll.u32 v3, $0x2  }
0x1b4: {  	v3 =	vand.u32 $0x7, v3;
	v4 =	vand.u32 $0xFFFFFFE0, v60  }
0x1b5: {  	v3 =	vor.u32 v3, v4  }
0x1b6: {  	v4 =	vperm.xlane v3, v0;
	_ =	sdelay $0x1  }
0x1b7: {  	v4 =	vadd.s32 v1, v4;
	_ =	sdelay $0x1  }
0x1b8: {  	v3 =	vperm.xlane v3, v2;
	_ =	sdelay $0x1  }
0x1b9: {  	v3 =	vadd.s32 v1, v3  }
0x1ba: {  	[tilespmem:s16], [sflag:$0x1] =	stream.indirect_vreg.gather [hbm4b:s1+s4], $0x80, v4, vm0, $0xb8;
	[tilespmem:$0x1F000] =	vst v63  }
0x1bb: {  	_ = 	snop  }
0x1bc: {  	[tilespmem:s17], [sflag:$0x1] =	stream.indirect_vreg.gather [hbm4b:s8+s4], $0x80, v4, vm0, $0xb8;
	[tilespmem:$0x1F000] =	vst v63  }
0x1bd: {  	_ = 	snop  }
0x1be: {  	[tilespmem:s18], [sflag:$0x1] =	stream.indirect_vreg.gather [hbm4b:s1+s4], $0x80, v3, vm0, $0xb8;
	[tilespmem:$0x1F000] =	vst v63  }
0x1bf: {  	_ = 	snop  }
0x1c0: {  	[tilespmem:s19], [sflag:$0x1] =	stream.indirect_vreg.gather [hbm4b:s8+s4], $0x80, v3, vm0, $0xb8;
	[tilespmem:$0x1F000] =	vst v63  }
0x1c1: {  	v3 =	vld [tilespmem:s11+$0x20];
	_ =	sdelay $0x4  }
0x1c2: {  	v61 =	vshll.u32 v3, $0x2  }
0x1c3: {  	v3 =	vand.u32 $0x7, v3;
	v4 =	vand.u32 $0xFFFFFFE0, v61  }
0x1c4: {  	v3 =	vor.u32 v3, v4  }
0x1c5: {  	v4 =	vperm.xlane v3, v0;
	_ =	sdelay $0x1  }
0x1c6: {  	v4 =	vadd.s32 v1, v4;
	_ =	sdelay $0x1  }
0x1c7: {  	v3 =	vperm.xlane v3, v2;
	_ =	sdelay $0x1  }
0x1c8: {  	v3 =	vadd.s32 v1, v3  }
0x1c9: {  	[tilespmem:s20], [sflag:$0x1] =	stream.indirect_vreg.gather [hbm4b:s1+s4], $0x80, v4, vm0, $0xb8;
	[tilespmem:$0x1F000] =	vst v63  }
0x1ca: {  	_ = 	snop  }
0x1cb: {  	[tilespmem:s21], [sflag:$0x1] =	stream.indirect_vreg.gather [hbm4b:s8+s4], $0x80, v4, vm0, $0xb8;
	[tilespmem:$0x1F000] =	vst v63  }
0x1cc: {  	_ = 	snop  }
0x1cd: {  	[tilespmem:s22], [sflag:$0x1] =	stream.indirect_vreg.gather [hbm4b:s1+s4], $0x80, v3, vm0, $0xb8;
	[tilespmem:$0x1F000] =	vst v63  }
0x1ce: {  	_ = 	snop  }
0x1cf: {  	[tilespmem:s23], [sflag:$0x1] =	stream.indirect_vreg.gather [hbm4b:s8+s4], $0x80, v3, vm0, $0xb8;
	[tilespmem:$0x1F000] =	vst v63  }
0x1d0: {  	v3 =	vld [tilespmem:s11+$0x30];
	_ =	sdelay $0x4  }
0x1d1: {  	v62 =	vshll.u32 v3, $0x2  }
0x1d2: {  	v3 =	vand.u32 $0x7, v3;
	v4 =	vand.u32 $0xFFFFFFE0, v62  }
0x1d3: {  	v3 =	vor.u32 v3, v4  }
0x1d4: {  	v4 =	vperm.xlane v3, v0;
	_ =	sdelay $0x1  }
0x1d5: {  	v4 =	vadd.s32 v1, v4;
	_ =	sdelay $0x1  }
0x1d6: {  	v3 =	vperm.xlane v3, v2;
	_ =	sdelay $0x1  }
0x1d7: {  	v3 =	vadd.s32 v1, v3  }
0x1d8: {  	[tilespmem:s24], [sflag:$0x1] =	stream.indirect_vreg.gather [hbm4b:s1+s4], $0x80, v4, vm0, $0xb8;
	[tilespmem:$0x1F000] =	vst v63  }
0x1d9: {  	_ = 	snop  }
0x1da: {  	[tilespmem:s25], [sflag:$0x1] =	stream.indirect_vreg.gather [hbm4b:s8+s4], $0x80, v4, vm0, $0xb8;
	[tilespmem:$0x1F000] =	vst v63  }
0x1db: {  	_ = 	snop  }
0x1dc: {  	[tilespmem:s26], [sflag:$0x1] =	stream.indirect_vreg.gather [hbm4b:s1+s4], $0x80, v3, vm0, $0xb8;
	[tilespmem:$0x1F000] =	vst v63  }
0x1dd: {  	_ = 	snop  }
0x1de: {  	[tilespmem:s28], [sflag:$0x1] =	stream.indirect_vreg.gather [hbm4b:s8+s4], $0x80, v3, vm0, $0xb8;
	[tilespmem:$0x1F000] =	vst v63  }
0x1df: {  	v3 =	vld [tilespmem:s11+$0x40];
	_ =	sdelay $0x4  }
0x1e0: {  	v63 =	vshll.u32 v3, $0x2  }
0x1e1: {  	v3 =	vand.u32 $0x7, v3;
	v4 =	vand.u32 $0xFFFFFFE0, v63  }
0x1e2: {  	v3 =	vor.u32 v3, v4  }
0x1e3: {  	v4 =	vperm.xlane v3, v0;
	_ =	sdelay $0x1  }
0x1e4: {  	v4 =	vadd.s32 v1, v4;
	_ =	sdelay $0x2  }
0x1e5: {  	v3 =	vperm.xlane v3, v2;
	_ =	sdelay $0x1  }
0x1e6: {  	v3 =	vadd.s32 v1, v3;
	[tilespmem:s29], [sflag:$0x1] =	stream.indirect_vreg.gather [hbm4b:s1+s4], $0x80, v4, vm0, $0xb8;
	[tilespmem:$0x1F000] =	vst v63  }
0x1e7: {  	_ = 	snop  }
0x1e8: {  	[tilespmem:s30], [sflag:$0x1] =	stream.indirect_vreg.gather [hbm4b:s8+s4], $0x80, v4, vm0, $0xb8;
	[tilespmem:$0x1F000] =	vst v63  }
.Ltmp6:
0x1e9: {  	_ = 	snop;
	(pc) =	sbr.rel .LBB2_6-.Ltmp6, $4  }
0x1ea: {  	_ = 	snop  }
0x1eb: {  	[tilespmem:s31], [sflag:$0x1] =	stream.indirect_vreg.gather [hbm4b:s1+s4], $0x80, v3, vm0, $0xb8;
	[tilespmem:$0x1F000] =	vst v63  }
0x1ec: {  	_ = 	snop  }
0x1ed: {  	[tilespmem:s0], [sflag:$0x1] =	stream.indirect_vreg.gather [hbm4b:s8+s4], $0x80, v3, vm0, $0xb8;
	[tilespmem:$0x1F000] =	vst v63  }
.LBB2_8:
0x1ee: {  	_ =	sfence.sel $0x180000  }
0x1ef: {  	[bflag:$0x0] =	sbarrier.arrive $0xFFFF  }
0x1f0: {  	_ =	strace $0x90000047  }
0x1f1: {  	s0 =	stileid.u32;
	[bflag:$0x2] =	sbarrier.arrive $0xFFFF  }
0x1f2: {  	p0 =	sne.s32 s0, $0x0;
	s0 =	rddreg [dreg:$0x4]  }
0x1f3: {  	s0 =	sadd.s32 @!p0 $0x100000, s0  }
0x1f4: {  	[sflag:s0] =	ssyncadd.tile.s32 @!p0 $0x1;
	_ =	shalt  }
.Lfunc_end2:
_tile_overlayer_lowered:
.L_overlay_start_2:
0x1f5: {  	(tag) =	ssettag $0x2  }
0x1f6: {  	s0 =	rddreg [dreg:$0x0];
	s2 =	stileid.u32  }
0x1f7: {  	s1 =	rddreg [dreg:$0x1];
	p0 =	sne.s32 s2, $0x0  }
0x1f8: {  	s3 =	rddreg [dreg:$0x2];
	[bflag:$0x3] =	sbarrier.arrive $0xFFFF;
	s2 =	simm.s32 @!p0 $0x1C02  }
0x1f9: {  	[timem:s3], [sflag:s2] =	dma.local @!p0 [hbm:s0], s1  }
0x1fa: {  	s0 =	simm.s32 @!p0 $0x2  }
0x1fb: {  	_ =	swait.ge @!p0 [sflag:s0], s1  }
0x1fc: {  	s1 =	ssub.s32 @!p0 $0x0, s1;
	[sflag:s0] =	ssyncset.done @!p0 $0x0  }
0x1fd: {  	[sflag:s0] =	ssyncadd.s32 @!p0 s1  }
0x1fe: {  	[bflag:$0x3] =	sbarrier.arrive $0xFFFF  }
0x1ff: {  	_ =	shalt  }

</sc_bundles>
